<compile_context>
chip_gen: v7x
topology: tpu7x:2x2x1
jax: 0.10.2.dev20260603
libtpu: 0.0.44.dev20260713+nightly
codegen_flags: <defaults>
</compile_context>

<pallas_src>
import functools

import jax
import jax.numpy as jnp
from jax import lax
from jax.experimental import pallas as pl
from jax.experimental.pallas import tpu as pltpu
from jax.experimental.pallas import tpu_sc as plsc

VOCAB = 1000000
NBLK = 7816
DSTRIDE = NBLK * 128
NC = 2
NS = 16
L = 16
NW = NC * NS
B = 16384
D = 32
BPW = B // NW
NCHUNK = 4
CHUNK = BPW // NCHUNK


def _gathers(ut, it, uidx_v, pidx_v, nidx_v, u_v, p_v, n_v, sem, start):
    def dma(d, table, idx_ref, dst):
        for j in range(NCHUNK):
            cp = pltpu.make_async_copy(
                table.at[pl.ds(d * DSTRIDE, DSTRIDE)].at[
                    idx_ref.at[pl.ds(j * CHUNK, CHUNK)]
                ],
                dst.at[d, pl.ds(j * CHUNK, CHUNK)],
                sem,
            )
            if start:
                cp.start()
            else:
                cp.wait()

    def body(d, carry):
        dma(d, ut, uidx_v, u_v)
        dma(d, it, pidx_v, p_v)
        dma(d, it, nidx_v, n_v)
        return carry

    lax.fori_loop(0, D, body, 0)


def _bpr_body(ut, it, uidx, pidx, nidx, pos_out, neg_out,
              uidx_v, pidx_v, nidx_v, u_v, p_v, n_v, psc, nsc, sem):
    wid = lax.axis_index("s") * NC + lax.axis_index("c")
    base = wid * BPW

    pltpu.sync_copy(uidx.at[pl.ds(base, BPW)], uidx_v)
    pltpu.sync_copy(pidx.at[pl.ds(base, BPW)], pidx_v)
    pltpu.sync_copy(nidx.at[pl.ds(base, BPW)], nidx_v)

    _gathers(ut, it, uidx_v, pidx_v, nidx_v, u_v, p_v, n_v, sem, start=True)
    _gathers(ut, it, uidx_v, pidx_v, nidx_v, u_v, p_v, n_v, sem, start=False)

    def blk_body(b, carry):
        r0 = b * L
        pacc = jnp.zeros((L,), jnp.float32)
        nacc = jnp.zeros((L,), jnp.float32)
        for d in range(D):
            u = u_v[d, pl.ds(r0, L)]
            p = p_v[d, pl.ds(r0, L)]
            n = n_v[d, pl.ds(r0, L)]
            pacc = pacc + u * p
            nacc = nacc + u * n
        psc[pl.ds(r0, L)] = pacc
        nsc[pl.ds(r0, L)] = nacc
        return carry

    lax.fori_loop(0, BPW // L, blk_body, 0)

    pltpu.sync_copy(psc, pos_out.at[pl.ds(base, BPW)])
    pltpu.sync_copy(nsc, neg_out.at[pl.ds(base, BPW)])


_bpr_call = functools.partial(
    pl.kernel,
    out_type=(
        jax.ShapeDtypeStruct((B,), jnp.float32),
        jax.ShapeDtypeStruct((B,), jnp.float32),
    ),
    mesh=plsc.VectorSubcoreMesh(core_axis_name="c", subcore_axis_name="s"),
    compiler_params=pltpu.CompilerParams(
        needs_layout_passes=False, use_tc_tiling_on_sc=False
    ),
    scratch_types=[
        pltpu.VMEM((BPW,), jnp.int32),
        pltpu.VMEM((BPW,), jnp.int32),
        pltpu.VMEM((BPW,), jnp.int32),
        pltpu.VMEM((D, BPW), jnp.float32),
        pltpu.VMEM((D, BPW), jnp.float32),
        pltpu.VMEM((D, BPW), jnp.float32),
        pltpu.VMEM((BPW,), jnp.float32),
        pltpu.VMEM((BPW,), jnp.float32),
        pltpu.SemaphoreType.DMA,
    ],
)(_bpr_body)


TCW = 8192
JW = TCW // 128
TGRID = -(-VOCAB // TCW)


def _untile_body(in_ref, out_ref):
    out_ref[...] = in_ref[...].reshape(D, JW, 128)


_untile = pl.pallas_call(
    _untile_body,
    grid=(TGRID,),
    in_specs=[pl.BlockSpec((D, TCW), lambda k: (0, k))],
    out_specs=pl.BlockSpec((D, JW, 128), lambda k: (0, k, 0)),
    out_shape=jax.ShapeDtypeStruct((D, NBLK, 128), jnp.float32),
)


@jax.jit
def kernel(user_table, item_table, user_inputs, pos_inputs, neg_inputs):
    ut = _untile(user_table.T).reshape(D * DSTRIDE)
    it = _untile(item_table.T).reshape(D * DSTRIDE)
    uidx = user_inputs.reshape(B).astype(jnp.int32)
    pidx = pos_inputs.reshape(B).astype(jnp.int32)
    nidx = neg_inputs.reshape(B).astype(jnp.int32)
    pos, neg = _bpr_call(ut, it, uidx, pidx, nidx)
    return pos.reshape(B, 1), neg.reshape(B, 1)

# --- scband reference (transcript-rebuilt; emitter-appended) ---
"""Pipeline reference for scband-bpr-63376537419859 (READ-ONLY COPY).

The authoritative reference and input builder live on the scoring server;
editing this copy changes nothing except your own understanding.
"""

import jax, jax.numpy as jnp
import numpy as np

BATCH = 16384
VOCAB = 1000000
EMBED_DIM = 32

def setup_inputs(seed: int = 0) -> dict:
    key = jax.random.key(seed)
    k1, k2, k3, k4, k5 = jax.random.split(key, 5)
    user_inputs = jax.random.randint(k1, (BATCH, 1), 0, VOCAB)
    pos_inputs = jax.random.randint(k2, (BATCH, 1), 0, VOCAB)
    neg_inputs = jax.random.randint(k3, (BATCH, 1), 0, VOCAB)
    # Learned parameters: one user-id embedding table and one item-id embedding table
    # (keras Embedding with 'random_uniform' initializer: U(-0.05, 0.05))
    user_table = jax.random.uniform(k4, (VOCAB, EMBED_DIM), minval=-0.05, maxval=0.05, dtype=jnp.float32)
    item_table = jax.random.uniform(k5, (VOCAB, EMBED_DIM), minval=-0.05, maxval=0.05, dtype=jnp.float32)
    return {
        "user_table": user_table,
        "item_table": item_table,
        "user_inputs": user_inputs,
        "pos_inputs": pos_inputs,
        "neg_inputs": neg_inputs,
    }

def reference(user_table, item_table, user_inputs, pos_inputs, neg_inputs):
    # user_field_num = item_field_num = 1; add_n over one field then divide by 1
    user_embed = jnp.take(user_table, user_inputs[:, 0], axis=0) / 1.0
    pos_embed = jnp.take(item_table, pos_inputs[:, 0], axis=0) / 1.0
    neg_embed = jnp.take(item_table, neg_inputs[:, 0], axis=0) / 1.0
    pos_scores = jnp.sum(user_embed * pos_embed, axis=1, keepdims=True)
    neg_scores = jnp.sum(user_embed * neg_embed, axis=1, keepdims=True)
    return (pos_scores, neg_scores)

if __name__ == "__main__":
    import jax
    _d = setup_inputs()
    print(jax.jit(kernel)(*tuple(_d.values())))

</pallas_src>

<mosaic_0001>
#map = affine_map<(d0, d1) -> (0)>
module attributes {stable_mosaic.version = 14 : i64} {
  func.func @_bpr_body(%arg0: i32, %arg1: i32, %arg2: memref<32014336xf32, #tpu.memory_space<hbm>>, %arg3: memref<32014336xf32, #tpu.memory_space<hbm>>, %arg4: memref<16384xi32, #tpu.memory_space<hbm>>, %arg5: memref<16384xi32, #tpu.memory_space<hbm>>, %arg6: memref<16384xi32, #tpu.memory_space<hbm>>, %arg7: memref<16384xf32, #tpu.memory_space<hbm>>, %arg8: memref<16384xf32, #tpu.memory_space<hbm>>, %arg9: memref<512xi32, #tpu.memory_space<vmem>>, %arg10: memref<512xi32, #tpu.memory_space<vmem>>, %arg11: memref<512xi32, #tpu.memory_space<vmem>>, %arg12: memref<32x512xf32, #tpu.memory_space<vmem>>, %arg13: memref<32x512xf32, #tpu.memory_space<vmem>>, %arg14: memref<32x512xf32, #tpu.memory_space<vmem>>, %arg15: memref<512xf32, #tpu.memory_space<vmem>>, %arg16: memref<512xf32, #tpu.memory_space<vmem>>, %arg17: memref<!tpu.dma_semaphore, #tpu.memory_space<semaphore_mem>>) attributes {dimension_semantics = [#tpu.dimension_semantics<core_parallel>, #tpu.dimension_semantics<subcore_parallel>], iteration_bounds = array<i64: 2, 16>, scalar_prefetch = 0 : i64, scratch_operands = 9 : i64, tpu.core_type = #tpu.core_type<sc_vector_subcore>, window_params = [{transform_indices = #map}, {transform_indices = #map}, {transform_indices = #map}, {transform_indices = #map}, {transform_indices = #map}, {transform_indices = #map}, {transform_indices = #map}]} {
    %mul3A = arith.constant 2 : i32
    %mul3A_0 = arith.muli %arg1, %mul3A : i32
    %add3A = arith.addi %mul3A_0, %arg0 : i32
    %mul3A_1 = arith.constant 512 : i32
    %mul3A_2 = arith.muli %add3A, %mul3A_1 : i32
    "tpu.region"() ({
      %run_scoped3A = tpu.sem_alloc : memref<!tpu.dma_semaphore, #tpu.memory_space<semaphore_mem>>
      %dma_start3A = tpu.memref_slice %arg4[%mul3A_2] : memref<16384xi32, #tpu.memory_space<hbm>> -> memref<512xi32, #tpu.memory_space<hbm>>
      %dma_start3A_20 = tpu.memref_slice %arg4[%mul3A_2] : memref<16384xi32, #tpu.memory_space<hbm>> -> memref<512xi32, #tpu.memory_space<hbm>>
      tpu.enqueue_dma source(%dma_start3A_20 : memref<512xi32, #tpu.memory_space<hbm>>) target(%arg9 : memref<512xi32, #tpu.memory_space<vmem>>) target_semaphore(%run_scoped3A : memref<!tpu.dma_semaphore, #tpu.memory_space<semaphore_mem>>)
      %dma_wait3A = tpu.memref_slice %arg4[%mul3A_2] : memref<16384xi32, #tpu.memory_space<hbm>> -> memref<512xi32, #tpu.memory_space<hbm>>
      %dma_wait3A_21 = tpu.memref_slice %arg4[%mul3A_2] : memref<16384xi32, #tpu.memory_space<hbm>> -> memref<512xi32, #tpu.memory_space<hbm>>
      tpu.wait_dma2 semaphore(%run_scoped3A : memref<!tpu.dma_semaphore, #tpu.memory_space<semaphore_mem>>) src(%dma_wait3A_21 : memref<512xi32, #tpu.memory_space<hbm>>) dst(%arg9 : memref<512xi32, #tpu.memory_space<vmem>>)
      tpu.yield
    }) : () -> ()
    "tpu.region"() ({
      %run_scoped3A = tpu.sem_alloc : memref<!tpu.dma_semaphore, #tpu.memory_space<semaphore_mem>>
      %dma_start3A = tpu.memref_slice %arg5[%mul3A_2] : memref<16384xi32, #tpu.memory_space<hbm>> -> memref<512xi32, #tpu.memory_space<hbm>>
      %dma_start3A_20 = tpu.memref_slice %arg5[%mul3A_2] : memref<16384xi32, #tpu.memory_space<hbm>> -> memref<512xi32, #tpu.memory_space<hbm>>
      tpu.enqueue_dma source(%dma_start3A_20 : memref<512xi32, #tpu.memory_space<hbm>>) target(%arg10 : memref<512xi32, #tpu.memory_space<vmem>>) target_semaphore(%run_scoped3A : memref<!tpu.dma_semaphore, #tpu.memory_space<semaphore_mem>>)
      %dma_wait3A = tpu.memref_slice %arg5[%mul3A_2] : memref<16384xi32, #tpu.memory_space<hbm>> -> memref<512xi32, #tpu.memory_space<hbm>>
      %dma_wait3A_21 = tpu.memref_slice %arg5[%mul3A_2] : memref<16384xi32, #tpu.memory_space<hbm>> -> memref<512xi32, #tpu.memory_space<hbm>>
      tpu.wait_dma2 semaphore(%run_scoped3A : memref<!tpu.dma_semaphore, #tpu.memory_space<semaphore_mem>>) src(%dma_wait3A_21 : memref<512xi32, #tpu.memory_space<hbm>>) dst(%arg10 : memref<512xi32, #tpu.memory_space<vmem>>)
      tpu.yield
    }) : () -> ()
    "tpu.region"() ({
      %run_scoped3A = tpu.sem_alloc : memref<!tpu.dma_semaphore, #tpu.memory_space<semaphore_mem>>
      %dma_start3A = tpu.memref_slice %arg6[%mul3A_2] : memref<16384xi32, #tpu.memory_space<hbm>> -> memref<512xi32, #tpu.memory_space<hbm>>
      %dma_start3A_20 = tpu.memref_slice %arg6[%mul3A_2] : memref<16384xi32, #tpu.memory_space<hbm>> -> memref<512xi32, #tpu.memory_space<hbm>>
      tpu.enqueue_dma source(%dma_start3A_20 : memref<512xi32, #tpu.memory_space<hbm>>) target(%arg11 : memref<512xi32, #tpu.memory_space<vmem>>) target_semaphore(%run_scoped3A : memref<!tpu.dma_semaphore, #tpu.memory_space<semaphore_mem>>)
      %dma_wait3A = tpu.memref_slice %arg6[%mul3A_2] : memref<16384xi32, #tpu.memory_space<hbm>> -> memref<512xi32, #tpu.memory_space<hbm>>
      %dma_wait3A_21 = tpu.memref_slice %arg6[%mul3A_2] : memref<16384xi32, #tpu.memory_space<hbm>> -> memref<512xi32, #tpu.memory_space<hbm>>
      tpu.wait_dma2 semaphore(%run_scoped3A : memref<!tpu.dma_semaphore, #tpu.memory_space<semaphore_mem>>) src(%dma_wait3A_21 : memref<512xi32, #tpu.memory_space<hbm>>) dst(%arg11 : memref<512xi32, #tpu.memory_space<vmem>>)
      tpu.yield
    }) : () -> ()
    %scan3A = arith.constant 0 : i32
    %scan3A_3 = arith.constant 0 : i32
    %scan3A_4 = arith.constant 32 : i32
    %scan3A_5 = arith.addi %scan3A_3, %scan3A_4 : i32
    %scan3A_6 = arith.constant 1 : i32
    scf.for %scan3A_20 = %scan3A_3 to %scan3A_5 step %scan3A_6  : i32 {
      %mul3A_21 = arith.constant 1000448 : i32
      %mul3A_22 = arith.muli %scan3A_20, %mul3A_21 : i32
      %dma_start3A = arith.constant 0 : i32
      %dma_start3A_23 = tpu.memref_slice %arg12[%scan3A_20, %dma_start3A] : memref<32x512xf32, #tpu.memory_space<vmem>> -> memref<1x128xf32, #tpu.memory_space<vmem>>
      %dma_start3A_24 = tpu.memref_squeeze %dma_start3A_23 : memref<1x128xf32, #tpu.memory_space<vmem>> -> memref<128xf32, #tpu.memory_space<vmem>>
      %dma_start3A_25 = arith.constant 0 : i32
      %dma_start3A_26 = tpu.memref_slice %arg9[%dma_start3A_25] : memref<512xi32, #tpu.memory_space<vmem>> -> memref<128xi32, #tpu.memory_space<vmem>>
      %dma_start3A_27 = tpu.memref_slice %arg2[%mul3A_22] : memref<32014336xf32, #tpu.memory_space<hbm>> -> memref<1000448xf32, #tpu.memory_space<hbm>>
      %dma_start3A_28 = arith.constant 0 : i32
      %dma_start3A_29 = tpu.memref_slice %dma_start3A_27[%dma_start3A_28] : memref<1000448xf32, #tpu.memory_space<hbm>> -> memref<1000448xf32, #tpu.memory_space<hbm>>
      tpu.enqueue_indirect_dma source(%dma_start3A_29 : memref<1000448xf32, #tpu.memory_space<hbm>>) target(%dma_start3A_24 : memref<128xf32, #tpu.memory_space<vmem>>) offsets(%dma_start3A_26 : memref<128xi32, #tpu.memory_space<vmem>>) semaphore(%arg17 : memref<!tpu.dma_semaphore, #tpu.memory_space<semaphore_mem>>)
      %mul3A_30 = arith.constant 1000448 : i32
      %mul3A_31 = arith.muli %scan3A_20, %mul3A_30 : i32
      %dma_start3A_32 = arith.constant 128 : i32
      %dma_start3A_33 = tpu.memref_slice %arg12[%scan3A_20, %dma_start3A_32] : memref<32x512xf32, #tpu.memory_space<vmem>> -> memref<1x128xf32, #tpu.memory_space<vmem>>
      %dma_start3A_34 = tpu.memref_squeeze %dma_start3A_33 : memref<1x128xf32, #tpu.memory_space<vmem>> -> memref<128xf32, #tpu.memory_space<vmem>>
      %dma_start3A_35 = arith.constant 128 : i32
      %dma_start3A_36 = tpu.memref_slice %arg9[%dma_start3A_35] : memref<512xi32, #tpu.memory_space<vmem>> -> memref<128xi32, #tpu.memory_space<vmem>>
      %dma_start3A_37 = tpu.memref_slice %arg2[%mul3A_31] : memref<32014336xf32, #tpu.memory_space<hbm>> -> memref<1000448xf32, #tpu.memory_space<hbm>>
      %dma_start3A_38 = arith.constant 0 : i32
      %dma_start3A_39 = tpu.memref_slice %dma_start3A_37[%dma_start3A_38] : memref<1000448xf32, #tpu.memory_space<hbm>> -> memref<1000448xf32, #tpu.memory_space<hbm>>
      tpu.enqueue_indirect_dma source(%dma_start3A_39 : memref<1000448xf32, #tpu.memory_space<hbm>>) target(%dma_start3A_34 : memref<128xf32, #tpu.memory_space<vmem>>) offsets(%dma_start3A_36 : memref<128xi32, #tpu.memory_space<vmem>>) semaphore(%arg17 : memref<!tpu.dma_semaphore, #tpu.memory_space<semaphore_mem>>)
      %mul3A_40 = arith.constant 1000448 : i32
      %mul3A_41 = arith.muli %scan3A_20, %mul3A_40 : i32
      %dma_start3A_42 = arith.constant 256 : i32
      %dma_start3A_43 = tpu.memref_slice %arg12[%scan3A_20, %dma_start3A_42] : memref<32x512xf32, #tpu.memory_space<vmem>> -> memref<1x128xf32, #tpu.memory_space<vmem>>
      %dma_start3A_44 = tpu.memref_squeeze %dma_start3A_43 : memref<1x128xf32, #tpu.memory_space<vmem>> -> memref<128xf32, #tpu.memory_space<vmem>>
      %dma_start3A_45 = arith.constant 256 : i32
      %dma_start3A_46 = tpu.memref_slice %arg9[%dma_start3A_45] : memref<512xi32, #tpu.memory_space<vmem>> -> memref<128xi32, #tpu.memory_space<vmem>>
      %dma_start3A_47 = tpu.memref_slice %arg2[%mul3A_41] : memref<32014336xf32, #tpu.memory_space<hbm>> -> memref<1000448xf32, #tpu.memory_space<hbm>>
      %dma_start3A_48 = arith.constant 0 : i32
      %dma_start3A_49 = tpu.memref_slice %dma_start3A_47[%dma_start3A_48] : memref<1000448xf32, #tpu.memory_space<hbm>> -> memref<1000448xf32, #tpu.memory_space<hbm>>
      tpu.enqueue_indirect_dma source(%dma_start3A_49 : memref<1000448xf32, #tpu.memory_space<hbm>>) target(%dma_start3A_44 : memref<128xf32, #tpu.memory_space<vmem>>) offsets(%dma_start3A_46 : memref<128xi32, #tpu.memory_space<vmem>>) semaphore(%arg17 : memref<!tpu.dma_semaphore, #tpu.memory_space<semaphore_mem>>)
      %mul3A_50 = arith.constant 1000448 : i32
      %mul3A_51 = arith.muli %scan3A_20, %mul3A_50 : i32
      %dma_start3A_52 = arith.constant 384 : i32
      %dma_start3A_53 = tpu.memref_slice %arg12[%scan3A_20, %dma_start3A_52] : memref<32x512xf32, #tpu.memory_space<vmem>> -> memref<1x128xf32, #tpu.memory_space<vmem>>
      %dma_start3A_54 = tpu.memref_squeeze %dma_start3A_53 : memref<1x128xf32, #tpu.memory_space<vmem>> -> memref<128xf32, #tpu.memory_space<vmem>>
      %dma_start3A_55 = arith.constant 384 : i32
      %dma_start3A_56 = tpu.memref_slice %arg9[%dma_start3A_55] : memref<512xi32, #tpu.memory_space<vmem>> -> memref<128xi32, #tpu.memory_space<vmem>>
      %dma_start3A_57 = tpu.memref_slice %arg2[%mul3A_51] : memref<32014336xf32, #tpu.memory_space<hbm>> -> memref<1000448xf32, #tpu.memory_space<hbm>>
      %dma_start3A_58 = arith.constant 0 : i32
      %dma_start3A_59 = tpu.memref_slice %dma_start3A_57[%dma_start3A_58] : memref<1000448xf32, #tpu.memory_space<hbm>> -> memref<1000448xf32, #tpu.memory_space<hbm>>
      tpu.enqueue_indirect_dma source(%dma_start3A_59 : memref<1000448xf32, #tpu.memory_space<hbm>>) target(%dma_start3A_54 : memref<128xf32, #tpu.memory_space<vmem>>) offsets(%dma_start3A_56 : memref<128xi32, #tpu.memory_space<vmem>>) semaphore(%arg17 : memref<!tpu.dma_semaphore, #tpu.memory_space<semaphore_mem>>)
      %mul3A_60 = arith.constant 1000448 : i32
      %mul3A_61 = arith.muli %scan3A_20, %mul3A_60 : i32
      %dma_start3A_62 = arith.constant 0 : i32
      %dma_start3A_63 = tpu.memref_slice %arg13[%scan3A_20, %dma_start3A_62] : memref<32x512xf32, #tpu.memory_space<vmem>> -> memref<1x128xf32, #tpu.memory_space<vmem>>
      %dma_start3A_64 = tpu.memref_squeeze %dma_start3A_63 : memref<1x128xf32, #tpu.memory_space<vmem>> -> memref<128xf32, #tpu.memory_space<vmem>>
      %dma_start3A_65 = arith.constant 0 : i32
      %dma_start3A_66 = tpu.memref_slice %arg10[%dma_start3A_65] : memref<512xi32, #tpu.memory_space<vmem>> -> memref<128xi32, #tpu.memory_space<vmem>>
      %dma_start3A_67 = tpu.memref_slice %arg3[%mul3A_61] : memref<32014336xf32, #tpu.memory_space<hbm>> -> memref<1000448xf32, #tpu.memory_space<hbm>>
      %dma_start3A_68 = arith.constant 0 : i32
      %dma_start3A_69 = tpu.memref_slice %dma_start3A_67[%dma_start3A_68] : memref<1000448xf32, #tpu.memory_space<hbm>> -> memref<1000448xf32, #tpu.memory_space<hbm>>
      tpu.enqueue_indirect_dma source(%dma_start3A_69 : memref<1000448xf32, #tpu.memory_space<hbm>>) target(%dma_start3A_64 : memref<128xf32, #tpu.memory_space<vmem>>) offsets(%dma_start3A_66 : memref<128xi32, #tpu.memory_space<vmem>>) semaphore(%arg17 : memref<!tpu.dma_semaphore, #tpu.memory_space<semaphore_mem>>)
      %mul3A_70 = arith.constant 1000448 : i32
      %mul3A_71 = arith.muli %scan3A_20, %mul3A_70 : i32
      %dma_start3A_72 = arith.constant 128 : i32
      %dma_start3A_73 = tpu.memref_slice %arg13[%scan3A_20, %dma_start3A_72] : memref<32x512xf32, #tpu.memory_space<vmem>> -> memref<1x128xf32, #tpu.memory_space<vmem>>
      %dma_start3A_74 = tpu.memref_squeeze %dma_start3A_73 : memref<1x128xf32, #tpu.memory_space<vmem>> -> memref<128xf32, #tpu.memory_space<vmem>>
      %dma_start3A_75 = arith.constant 128 : i32
      %dma_start3A_76 = tpu.memref_slice %arg10[%dma_start3A_75] : memref<512xi32, #tpu.memory_space<vmem>> -> memref<128xi32, #tpu.memory_space<vmem>>
      %dma_start3A_77 = tpu.memref_slice %arg3[%mul3A_71] : memref<32014336xf32, #tpu.memory_space<hbm>> -> memref<1000448xf32, #tpu.memory_space<hbm>>
      %dma_start3A_78 = arith.constant 0 : i32
      %dma_start3A_79 = tpu.memref_slice %dma_start3A_77[%dma_start3A_78] : memref<1000448xf32, #tpu.memory_space<hbm>> -> memref<1000448xf32, #tpu.memory_space<hbm>>
      tpu.enqueue_indirect_dma source(%dma_start3A_79 : memref<1000448xf32, #tpu.memory_space<hbm>>) target(%dma_start3A_74 : memref<128xf32, #tpu.memory_space<vmem>>) offsets(%dma_start3A_76 : memref<128xi32, #tpu.memory_space<vmem>>) semaphore(%arg17 : memref<!tpu.dma_semaphore, #tpu.memory_space<semaphore_mem>>)
      %mul3A_80 = arith.constant 1000448 : i32
      %mul3A_81 = arith.muli %scan3A_20, %mul3A_80 : i32
      %dma_start3A_82 = arith.constant 256 : i32
      %dma_start3A_83 = tpu.memref_slice %arg13[%scan3A_20, %dma_start3A_82] : memref<32x512xf32, #tpu.memory_space<vmem>> -> memref<1x128xf32, #tpu.memory_space<vmem>>
      %dma_start3A_84 = tpu.memref_squeeze %dma_start3A_83 : memref<1x128xf32, #tpu.memory_space<vmem>> -> memref<128xf32, #tpu.memory_space<vmem>>
      %dma_start3A_85 = arith.constant 256 : i32
      %dma_start3A_86 = tpu.memref_slice %arg10[%dma_start3A_85] : memref<512xi32, #tpu.memory_space<vmem>> -> memref<128xi32, #tpu.memory_space<vmem>>
      %dma_start3A_87 = tpu.memref_slice %arg3[%mul3A_81] : memref<32014336xf32, #tpu.memory_space<hbm>> -> memref<1000448xf32, #tpu.memory_space<hbm>>
      %dma_start3A_88 = arith.constant 0 : i32
      %dma_start3A_89 = tpu.memref_slice %dma_start3A_87[%dma_start3A_88] : memref<1000448xf32, #tpu.memory_space<hbm>> -> memref<1000448xf32, #tpu.memory_space<hbm>>
      tpu.enqueue_indirect_dma source(%dma_start3A_89 : memref<1000448xf32, #tpu.memory_space<hbm>>) target(%dma_start3A_84 : memref<128xf32, #tpu.memory_space<vmem>>) offsets(%dma_start3A_86 : memref<128xi32, #tpu.memory_space<vmem>>) semaphore(%arg17 : memref<!tpu.dma_semaphore, #tpu.memory_space<semaphore_mem>>)
      %mul3A_90 = arith.constant 1000448 : i32
      %mul3A_91 = arith.muli %scan3A_20, %mul3A_90 : i32
      %dma_start3A_92 = arith.constant 384 : i32
      %dma_start3A_93 = tpu.memref_slice %arg13[%scan3A_20, %dma_start3A_92] : memref<32x512xf32, #tpu.memory_space<vmem>> -> memref<1x128xf32, #tpu.memory_space<vmem>>
      %dma_start3A_94 = tpu.memref_squeeze %dma_start3A_93 : memref<1x128xf32, #tpu.memory_space<vmem>> -> memref<128xf32, #tpu.memory_space<vmem>>
      %dma_start3A_95 = arith.constant 384 : i32
      %dma_start3A_96 = tpu.memref_slice %arg10[%dma_start3A_95] : memref<512xi32, #tpu.memory_space<vmem>> -> memref<128xi32, #tpu.memory_space<vmem>>
      %dma_start3A_97 = tpu.memref_slice %arg3[%mul3A_91] : memref<32014336xf32, #tpu.memory_space<hbm>> -> memref<1000448xf32, #tpu.memory_space<hbm>>
      %dma_start3A_98 = arith.constant 0 : i32
      %dma_start3A_99 = tpu.memref_slice %dma_start3A_97[%dma_start3A_98] : memref<1000448xf32, #tpu.memory_space<hbm>> -> memref<1000448xf32, #tpu.memory_space<hbm>>
      tpu.enqueue_indirect_dma source(%dma_start3A_99 : memref<1000448xf32, #tpu.memory_space<hbm>>) target(%dma_start3A_94 : memref<128xf32, #tpu.memory_space<vmem>>) offsets(%dma_start3A_96 : memref<128xi32, #tpu.memory_space<vmem>>) semaphore(%arg17 : memref<!tpu.dma_semaphore, #tpu.memory_space<semaphore_mem>>)
      %mul3A_100 = arith.constant 1000448 : i32
      %mul3A_101 = arith.muli %scan3A_20, %mul3A_100 : i32
      %dma_start3A_102 = arith.constant 0 : i32
      %dma_start3A_103 = tpu.memref_slice %arg14[%scan3A_20, %dma_start3A_102] : memref<32x512xf32, #tpu.memory_space<vmem>> -> memref<1x128xf32, #tpu.memory_space<vmem>>
      %dma_start3A_104 = tpu.memref_squeeze %dma_start3A_103 : memref<1x128xf32, #tpu.memory_space<vmem>> -> memref<128xf32, #tpu.memory_space<vmem>>
      %dma_start3A_105 = arith.constant 0 : i32
      %dma_start3A_106 = tpu.memref_slice %arg11[%dma_start3A_105] : memref<512xi32, #tpu.memory_space<vmem>> -> memref<128xi32, #tpu.memory_space<vmem>>
      %dma_start3A_107 = tpu.memref_slice %arg3[%mul3A_101] : memref<32014336xf32, #tpu.memory_space<hbm>> -> memref<1000448xf32, #tpu.memory_space<hbm>>
      %dma_start3A_108 = arith.constant 0 : i32
      %dma_start3A_109 = tpu.memref_slice %dma_start3A_107[%dma_start3A_108] : memref<1000448xf32, #tpu.memory_space<hbm>> -> memref<1000448xf32, #tpu.memory_space<hbm>>
      tpu.enqueue_indirect_dma source(%dma_start3A_109 : memref<1000448xf32, #tpu.memory_space<hbm>>) target(%dma_start3A_104 : memref<128xf32, #tpu.memory_space<vmem>>) offsets(%dma_start3A_106 : memref<128xi32, #tpu.memory_space<vmem>>) semaphore(%arg17 : memref<!tpu.dma_semaphore, #tpu.memory_space<semaphore_mem>>)
      %mul3A_110 = arith.constant 1000448 : i32
      %mul3A_111 = arith.muli %scan3A_20, %mul3A_110 : i32
      %dma_start3A_112 = arith.constant 128 : i32
      %dma_start3A_113 = tpu.memref_slice %arg14[%scan3A_20, %dma_start3A_112] : memref<32x512xf32, #tpu.memory_space<vmem>> -> memref<1x128xf32, #tpu.memory_space<vmem>>
      %dma_start3A_114 = tpu.memref_squeeze %dma_start3A_113 : memref<1x128xf32, #tpu.memory_space<vmem>> -> memref<128xf32, #tpu.memory_space<vmem>>
      %dma_start3A_115 = arith.constant 128 : i32
      %dma_start3A_116 = tpu.memref_slice %arg11[%dma_start3A_115] : memref<512xi32, #tpu.memory_space<vmem>> -> memref<128xi32, #tpu.memory_space<vmem>>
      %dma_start3A_117 = tpu.memref_slice %arg3[%mul3A_111] : memref<32014336xf32, #tpu.memory_space<hbm>> -> memref<1000448xf32, #tpu.memory_space<hbm>>
      %dma_start3A_118 = arith.constant 0 : i32
      %dma_start3A_119 = tpu.memref_slice %dma_start3A_117[%dma_start3A_118] : memref<1000448xf32, #tpu.memory_space<hbm>> -> memref<1000448xf32, #tpu.memory_space<hbm>>
      tpu.enqueue_indirect_dma source(%dma_start3A_119 : memref<1000448xf32, #tpu.memory_space<hbm>>) target(%dma_start3A_114 : memref<128xf32, #tpu.memory_space<vmem>>) offsets(%dma_start3A_116 : memref<128xi32, #tpu.memory_space<vmem>>) semaphore(%arg17 : memref<!tpu.dma_semaphore, #tpu.memory_space<semaphore_mem>>)
      %mul3A_120 = arith.constant 1000448 : i32
      %mul3A_121 = arith.muli %scan3A_20, %mul3A_120 : i32
      %dma_start3A_122 = arith.constant 256 : i32
      %dma_start3A_123 = tpu.memref_slice %arg14[%scan3A_20, %dma_start3A_122] : memref<32x512xf32, #tpu.memory_space<vmem>> -> memref<1x128xf32, #tpu.memory_space<vmem>>
      %dma_start3A_124 = tpu.memref_squeeze %dma_start3A_123 : memref<1x128xf32, #tpu.memory_space<vmem>> -> memref<128xf32, #tpu.memory_space<vmem>>
      %dma_start3A_125 = arith.constant 256 : i32
      %dma_start3A_126 = tpu.memref_slice %arg11[%dma_start3A_125] : memref<512xi32, #tpu.memory_space<vmem>> -> memref<128xi32, #tpu.memory_space<vmem>>
      %dma_start3A_127 = tpu.memref_slice %arg3[%mul3A_121] : memref<32014336xf32, #tpu.memory_space<hbm>> -> memref<1000448xf32, #tpu.memory_space<hbm>>
      %dma_start3A_128 = arith.constant 0 : i32
      %dma_start3A_129 = tpu.memref_slice %dma_start3A_127[%dma_start3A_128] : memref<1000448xf32, #tpu.memory_space<hbm>> -> memref<1000448xf32, #tpu.memory_space<hbm>>
      tpu.enqueue_indirect_dma source(%dma_start3A_129 : memref<1000448xf32, #tpu.memory_space<hbm>>) target(%dma_start3A_124 : memref<128xf32, #tpu.memory_space<vmem>>) offsets(%dma_start3A_126 : memref<128xi32, #tpu.memory_space<vmem>>) semaphore(%arg17 : memref<!tpu.dma_semaphore, #tpu.memory_space<semaphore_mem>>)
      %mul3A_130 = arith.constant 1000448 : i32
      %mul3A_131 = arith.muli %scan3A_20, %mul3A_130 : i32
      %dma_start3A_132 = arith.constant 384 : i32
      %dma_start3A_133 = tpu.memref_slice %arg14[%scan3A_20, %dma_start3A_132] : memref<32x512xf32, #tpu.memory_space<vmem>> -> memref<1x128xf32, #tpu.memory_space<vmem>>
      %dma_start3A_134 = tpu.memref_squeeze %dma_start3A_133 : memref<1x128xf32, #tpu.memory_space<vmem>> -> memref<128xf32, #tpu.memory_space<vmem>>
      %dma_start3A_135 = arith.constant 384 : i32
      %dma_start3A_136 = tpu.memref_slice %arg11[%dma_start3A_135] : memref<512xi32, #tpu.memory_space<vmem>> -> memref<128xi32, #tpu.memory_space<vmem>>
      %dma_start3A_137 = tpu.memref_slice %arg3[%mul3A_131] : memref<32014336xf32, #tpu.memory_space<hbm>> -> memref<1000448xf32, #tpu.memory_space<hbm>>
      %dma_start3A_138 = arith.constant 0 : i32
      %dma_start3A_139 = tpu.memref_slice %dma_start3A_137[%dma_start3A_138] : memref<1000448xf32, #tpu.memory_space<hbm>> -> memref<1000448xf32, #tpu.memory_space<hbm>>
      tpu.enqueue_indirect_dma source(%dma_start3A_139 : memref<1000448xf32, #tpu.memory_space<hbm>>) target(%dma_start3A_134 : memref<128xf32, #tpu.memory_space<vmem>>) offsets(%dma_start3A_136 : memref<128xi32, #tpu.memory_space<vmem>>) semaphore(%arg17 : memref<!tpu.dma_semaphore, #tpu.memory_space<semaphore_mem>>)
    }
    %scan3A_7 = arith.constant 32 : i32
    %scan3A_8 = arith.constant 0 : i32
    %scan3A_9 = arith.constant 0 : i32
    %scan3A_10 = arith.constant 32 : i32
    %scan3A_11 = arith.addi %scan3A_9, %scan3A_10 : i32
    %scan3A_12 = arith.constant 1 : i32
    scf.for %scan3A_20 = %scan3A_9 to %scan3A_11 step %scan3A_12  : i32 {
      %mul3A_21 = arith.constant 1000448 : i32
      %mul3A_22 = arith.muli %scan3A_20, %mul3A_21 : i32
      %dma_wait3A = arith.constant 0 : i32
      %dma_wait3A_23 = tpu.memref_slice %arg12[%scan3A_20, %dma_wait3A] : memref<32x512xf32, #tpu.memory_space<vmem>> -> memref<1x128xf32, #tpu.memory_space<vmem>>
      %dma_wait3A_24 = tpu.memref_squeeze %dma_wait3A_23 : memref<1x128xf32, #tpu.memory_space<vmem>> -> memref<128xf32, #tpu.memory_space<vmem>>
      %dma_wait3A_25 = arith.constant 0 : i32
      %dma_wait3A_26 = tpu.memref_slice %arg9[%dma_wait3A_25] : memref<512xi32, #tpu.memory_space<vmem>> -> memref<128xi32, #tpu.memory_space<vmem>>
      %dma_wait3A_27 = tpu.memref_slice %arg2[%mul3A_22] : memref<32014336xf32, #tpu.memory_space<hbm>> -> memref<1000448xf32, #tpu.memory_space<hbm>>
      %dma_wait3A_28 = arith.constant 0 : i32
      %dma_wait3A_29 = tpu.memref_slice %dma_wait3A_27[%dma_wait3A_28] : memref<1000448xf32, #tpu.memory_space<hbm>> -> memref<1000448xf32, #tpu.memory_space<hbm>>
      tpu.wait_indirect_dma semaphore(%arg17 : memref<!tpu.dma_semaphore, #tpu.memory_space<semaphore_mem>>) src(%dma_wait3A_29 : memref<1000448xf32, #tpu.memory_space<hbm>>) dst(%dma_wait3A_24 : memref<128xf32, #tpu.memory_space<vmem>>)
      %mul3A_30 = arith.constant 1000448 : i32
      %mul3A_31 = arith.muli %scan3A_20, %mul3A_30 : i32
      %dma_wait3A_32 = arith.constant 128 : i32
      %dma_wait3A_33 = tpu.memref_slice %arg12[%scan3A_20, %dma_wait3A_32] : memref<32x512xf32, #tpu.memory_space<vmem>> -> memref<1x128xf32, #tpu.memory_space<vmem>>
      %dma_wait3A_34 = tpu.memref_squeeze %dma_wait3A_33 : memref<1x128xf32, #tpu.memory_space<vmem>> -> memref<128xf32, #tpu.memory_space<vmem>>
      %dma_wait3A_35 = arith.constant 128 : i32
      %dma_wait3A_36 = tpu.memref_slice %arg9[%dma_wait3A_35] : memref<512xi32, #tpu.memory_space<vmem>> -> memref<128xi32, #tpu.memory_space<vmem>>
      %dma_wait3A_37 = tpu.memref_slice %arg2[%mul3A_31] : memref<32014336xf32, #tpu.memory_space<hbm>> -> memref<1000448xf32, #tpu.memory_space<hbm>>
      %dma_wait3A_38 = arith.constant 0 : i32
      %dma_wait3A_39 = tpu.memref_slice %dma_wait3A_37[%dma_wait3A_38] : memref<1000448xf32, #tpu.memory_space<hbm>> -> memref<1000448xf32, #tpu.memory_space<hbm>>
      tpu.wait_indirect_dma semaphore(%arg17 : memref<!tpu.dma_semaphore, #tpu.memory_space<semaphore_mem>>) src(%dma_wait3A_39 : memref<1000448xf32, #tpu.memory_space<hbm>>) dst(%dma_wait3A_34 : memref<128xf32, #tpu.memory_space<vmem>>)
      %mul3A_40 = arith.constant 1000448 : i32
      %mul3A_41 = arith.muli %scan3A_20, %mul3A_40 : i32
      %dma_wait3A_42 = arith.constant 256 : i32
      %dma_wait3A_43 = tpu.memref_slice %arg12[%scan3A_20, %dma_wait3A_42] : memref<32x512xf32, #tpu.memory_space<vmem>> -> memref<1x128xf32, #tpu.memory_space<vmem>>
      %dma_wait3A_44 = tpu.memref_squeeze %dma_wait3A_43 : memref<1x128xf32, #tpu.memory_space<vmem>> -> memref<128xf32, #tpu.memory_space<vmem>>
      %dma_wait3A_45 = arith.constant 256 : i32
      %dma_wait3A_46 = tpu.memref_slice %arg9[%dma_wait3A_45] : memref<512xi32, #tpu.memory_space<vmem>> -> memref<128xi32, #tpu.memory_space<vmem>>
      %dma_wait3A_47 = tpu.memref_slice %arg2[%mul3A_41] : memref<32014336xf32, #tpu.memory_space<hbm>> -> memref<1000448xf32, #tpu.memory_space<hbm>>
      %dma_wait3A_48 = arith.constant 0 : i32
      %dma_wait3A_49 = tpu.memref_slice %dma_wait3A_47[%dma_wait3A_48] : memref<1000448xf32, #tpu.memory_space<hbm>> -> memref<1000448xf32, #tpu.memory_space<hbm>>
      tpu.wait_indirect_dma semaphore(%arg17 : memref<!tpu.dma_semaphore, #tpu.memory_space<semaphore_mem>>) src(%dma_wait3A_49 : memref<1000448xf32, #tpu.memory_space<hbm>>) dst(%dma_wait3A_44 : memref<128xf32, #tpu.memory_space<vmem>>)
      %mul3A_50 = arith.constant 1000448 : i32
      %mul3A_51 = arith.muli %scan3A_20, %mul3A_50 : i32
      %dma_wait3A_52 = arith.constant 384 : i32
      %dma_wait3A_53 = tpu.memref_slice %arg12[%scan3A_20, %dma_wait3A_52] : memref<32x512xf32, #tpu.memory_space<vmem>> -> memref<1x128xf32, #tpu.memory_space<vmem>>
      %dma_wait3A_54 = tpu.memref_squeeze %dma_wait3A_53 : memref<1x128xf32, #tpu.memory_space<vmem>> -> memref<128xf32, #tpu.memory_space<vmem>>
      %dma_wait3A_55 = arith.constant 384 : i32
      %dma_wait3A_56 = tpu.memref_slice %arg9[%dma_wait3A_55] : memref<512xi32, #tpu.memory_space<vmem>> -> memref<128xi32, #tpu.memory_space<vmem>>
      %dma_wait3A_57 = tpu.memref_slice %arg2[%mul3A_51] : memref<32014336xf32, #tpu.memory_space<hbm>> -> memref<1000448xf32, #tpu.memory_space<hbm>>
      %dma_wait3A_58 = arith.constant 0 : i32
      %dma_wait3A_59 = tpu.memref_slice %dma_wait3A_57[%dma_wait3A_58] : memref<1000448xf32, #tpu.memory_space<hbm>> -> memref<1000448xf32, #tpu.memory_space<hbm>>
      tpu.wait_indirect_dma semaphore(%arg17 : memref<!tpu.dma_semaphore, #tpu.memory_space<semaphore_mem>>) src(%dma_wait3A_59 : memref<1000448xf32, #tpu.memory_space<hbm>>) dst(%dma_wait3A_54 : memref<128xf32, #tpu.memory_space<vmem>>)
      %mul3A_60 = arith.constant 1000448 : i32
      %mul3A_61 = arith.muli %scan3A_20, %mul3A_60 : i32
      %dma_wait3A_62 = arith.constant 0 : i32
      %dma_wait3A_63 = tpu.memref_slice %arg13[%scan3A_20, %dma_wait3A_62] : memref<32x512xf32, #tpu.memory_space<vmem>> -> memref<1x128xf32, #tpu.memory_space<vmem>>
      %dma_wait3A_64 = tpu.memref_squeeze %dma_wait3A_63 : memref<1x128xf32, #tpu.memory_space<vmem>> -> memref<128xf32, #tpu.memory_space<vmem>>
      %dma_wait3A_65 = arith.constant 0 : i32
      %dma_wait3A_66 = tpu.memref_slice %arg10[%dma_wait3A_65] : memref<512xi32, #tpu.memory_space<vmem>> -> memref<128xi32, #tpu.memory_space<vmem>>
      %dma_wait3A_67 = tpu.memref_slice %arg3[%mul3A_61] : memref<32014336xf32, #tpu.memory_space<hbm>> -> memref<1000448xf32, #tpu.memory_space<hbm>>
      %dma_wait3A_68 = arith.constant 0 : i32
      %dma_wait3A_69 = tpu.memref_slice %dma_wait3A_67[%dma_wait3A_68] : memref<1000448xf32, #tpu.memory_space<hbm>> -> memref<1000448xf32, #tpu.memory_space<hbm>>
      tpu.wait_indirect_dma semaphore(%arg17 : memref<!tpu.dma_semaphore, #tpu.memory_space<semaphore_mem>>) src(%dma_wait3A_69 : memref<1000448xf32, #tpu.memory_space<hbm>>) dst(%dma_wait3A_64 : memref<128xf32, #tpu.memory_space<vmem>>)
      %mul3A_70 = arith.constant 1000448 : i32
      %mul3A_71 = arith.muli %scan3A_20, %mul3A_70 : i32
      %dma_wait3A_72 = arith.constant 128 : i32
      %dma_wait3A_73 = tpu.memref_slice %arg13[%scan3A_20, %dma_wait3A_72] : memref<32x512xf32, #tpu.memory_space<vmem>> -> memref<1x128xf32, #tpu.memory_space<vmem>>
      %dma_wait3A_74 = tpu.memref_squeeze %dma_wait3A_73 : memref<1x128xf32, #tpu.memory_space<vmem>> -> memref<128xf32, #tpu.memory_space<vmem>>
      %dma_wait3A_75 = arith.constant 128 : i32
      %dma_wait3A_76 = tpu.memref_slice %arg10[%dma_wait3A_75] : memref<512xi32, #tpu.memory_space<vmem>> -> memref<128xi32, #tpu.memory_space<vmem>>
      %dma_wait3A_77 = tpu.memref_slice %arg3[%mul3A_71] : memref<32014336xf32, #tpu.memory_space<hbm>> -> memref<1000448xf32, #tpu.memory_space<hbm>>
      %dma_wait3A_78 = arith.constant 0 : i32
      %dma_wait3A_79 = tpu.memref_slice %dma_wait3A_77[%dma_wait3A_78] : memref<1000448xf32, #tpu.memory_space<hbm>> -> memref<1000448xf32, #tpu.memory_space<hbm>>
      tpu.wait_indirect_dma semaphore(%arg17 : memref<!tpu.dma_semaphore, #tpu.memory_space<semaphore_mem>>) src(%dma_wait3A_79 : memref<1000448xf32, #tpu.memory_space<hbm>>) dst(%dma_wait3A_74 : memref<128xf32, #tpu.memory_space<vmem>>)
      %mul3A_80 = arith.constant 1000448 : i32
      %mul3A_81 = arith.muli %scan3A_20, %mul3A_80 : i32
      %dma_wait3A_82 = arith.constant 256 : i32
      %dma_wait3A_83 = tpu.memref_slice %arg13[%scan3A_20, %dma_wait3A_82] : memref<32x512xf32, #tpu.memory_space<vmem>> -> memref<1x128xf32, #tpu.memory_space<vmem>>
      %dma_wait3A_84 = tpu.memref_squeeze %dma_wait3A_83 : memref<1x128xf32, #tpu.memory_space<vmem>> -> memref<128xf32, #tpu.memory_space<vmem>>
      %dma_wait3A_85 = arith.constant 256 : i32
      %dma_wait3A_86 = tpu.memref_slice %arg10[%dma_wait3A_85] : memref<512xi32, #tpu.memory_space<vmem>> -> memref<128xi32, #tpu.memory_space<vmem>>
      %dma_wait3A_87 = tpu.memref_slice %arg3[%mul3A_81] : memref<32014336xf32, #tpu.memory_space<hbm>> -> memref<1000448xf32, #tpu.memory_space<hbm>>
      %dma_wait3A_88 = arith.constant 0 : i32
      %dma_wait3A_89 = tpu.memref_slice %dma_wait3A_87[%dma_wait3A_88] : memref<1000448xf32, #tpu.memory_space<hbm>> -> memref<1000448xf32, #tpu.memory_space<hbm>>
      tpu.wait_indirect_dma semaphore(%arg17 : memref<!tpu.dma_semaphore, #tpu.memory_space<semaphore_mem>>) src(%dma_wait3A_89 : memref<1000448xf32, #tpu.memory_space<hbm>>) dst(%dma_wait3A_84 : memref<128xf32, #tpu.memory_space<vmem>>)
      %mul3A_90 = arith.constant 1000448 : i32
      %mul3A_91 = arith.muli %scan3A_20, %mul3A_90 : i32
      %dma_wait3A_92 = arith.constant 384 : i32
      %dma_wait3A_93 = tpu.memref_slice %arg13[%scan3A_20, %dma_wait3A_92] : memref<32x512xf32, #tpu.memory_space<vmem>> -> memref<1x128xf32, #tpu.memory_space<vmem>>
      %dma_wait3A_94 = tpu.memref_squeeze %dma_wait3A_93 : memref<1x128xf32, #tpu.memory_space<vmem>> -> memref<128xf32, #tpu.memory_space<vmem>>
      %dma_wait3A_95 = arith.constant 384 : i32
      %dma_wait3A_96 = tpu.memref_slice %arg10[%dma_wait3A_95] : memref<512xi32, #tpu.memory_space<vmem>> -> memref<128xi32, #tpu.memory_space<vmem>>
      %dma_wait3A_97 = tpu.memref_slice %arg3[%mul3A_91] : memref<32014336xf32, #tpu.memory_space<hbm>> -> memref<1000448xf32, #tpu.memory_space<hbm>>
      %dma_wait3A_98 = arith.constant 0 : i32
      %dma_wait3A_99 = tpu.memref_slice %dma_wait3A_97[%dma_wait3A_98] : memref<1000448xf32, #tpu.memory_space<hbm>> -> memref<1000448xf32, #tpu.memory_space<hbm>>
      tpu.wait_indirect_dma semaphore(%arg17 : memref<!tpu.dma_semaphore, #tpu.memory_space<semaphore_mem>>) src(%dma_wait3A_99 : memref<1000448xf32, #tpu.memory_space<hbm>>) dst(%dma_wait3A_94 : memref<128xf32, #tpu.memory_space<vmem>>)
      %mul3A_100 = arith.constant 1000448 : i32
      %mul3A_101 = arith.muli %scan3A_20, %mul3A_100 : i32
      %dma_wait3A_102 = arith.constant 0 : i32
      %dma_wait3A_103 = tpu.memref_slice %arg14[%scan3A_20, %dma_wait3A_102] : memref<32x512xf32, #tpu.memory_space<vmem>> -> memref<1x128xf32, #tpu.memory_space<vmem>>
      %dma_wait3A_104 = tpu.memref_squeeze %dma_wait3A_103 : memref<1x128xf32, #tpu.memory_space<vmem>> -> memref<128xf32, #tpu.memory_space<vmem>>
      %dma_wait3A_105 = arith.constant 0 : i32
      %dma_wait3A_106 = tpu.memref_slice %arg11[%dma_wait3A_105] : memref<512xi32, #tpu.memory_space<vmem>> -> memref<128xi32, #tpu.memory_space<vmem>>
      %dma_wait3A_107 = tpu.memref_slice %arg3[%mul3A_101] : memref<32014336xf32, #tpu.memory_space<hbm>> -> memref<1000448xf32, #tpu.memory_space<hbm>>
      %dma_wait3A_108 = arith.constant 0 : i32
      %dma_wait3A_109 = tpu.memref_slice %dma_wait3A_107[%dma_wait3A_108] : memref<1000448xf32, #tpu.memory_space<hbm>> -> memref<1000448xf32, #tpu.memory_space<hbm>>
      tpu.wait_indirect_dma semaphore(%arg17 : memref<!tpu.dma_semaphore, #tpu.memory_space<semaphore_mem>>) src(%dma_wait3A_109 : memref<1000448xf32, #tpu.memory_space<hbm>>) dst(%dma_wait3A_104 : memref<128xf32, #tpu.memory_space<vmem>>)
      %mul3A_110 = arith.constant 1000448 : i32
      %mul3A_111 = arith.muli %scan3A_20, %mul3A_110 : i32
      %dma_wait3A_112 = arith.constant 128 : i32
      %dma_wait3A_113 = tpu.memref_slice %arg14[%scan3A_20, %dma_wait3A_112] : memref<32x512xf32, #tpu.memory_space<vmem>> -> memref<1x128xf32, #tpu.memory_space<vmem>>
      %dma_wait3A_114 = tpu.memref_squeeze %dma_wait3A_113 : memref<1x128xf32, #tpu.memory_space<vmem>> -> memref<128xf32, #tpu.memory_space<vmem>>
      %dma_wait3A_115 = arith.constant 128 : i32
      %dma_wait3A_116 = tpu.memref_slice %arg11[%dma_wait3A_115] : memref<512xi32, #tpu.memory_space<vmem>> -> memref<128xi32, #tpu.memory_space<vmem>>
      %dma_wait3A_117 = tpu.memref_slice %arg3[%mul3A_111] : memref<32014336xf32, #tpu.memory_space<hbm>> -> memref<1000448xf32, #tpu.memory_space<hbm>>
      %dma_wait3A_118 = arith.constant 0 : i32
      %dma_wait3A_119 = tpu.memref_slice %dma_wait3A_117[%dma_wait3A_118] : memref<1000448xf32, #tpu.memory_space<hbm>> -> memref<1000448xf32, #tpu.memory_space<hbm>>
      tpu.wait_indirect_dma semaphore(%arg17 : memref<!tpu.dma_semaphore, #tpu.memory_space<semaphore_mem>>) src(%dma_wait3A_119 : memref<1000448xf32, #tpu.memory_space<hbm>>) dst(%dma_wait3A_114 : memref<128xf32, #tpu.memory_space<vmem>>)
      %mul3A_120 = arith.constant 1000448 : i32
      %mul3A_121 = arith.muli %scan3A_20, %mul3A_120 : i32
      %dma_wait3A_122 = arith.constant 256 : i32
      %dma_wait3A_123 = tpu.memref_slice %arg14[%scan3A_20, %dma_wait3A_122] : memref<32x512xf32, #tpu.memory_space<vmem>> -> memref<1x128xf32, #tpu.memory_space<vmem>>
      %dma_wait3A_124 = tpu.memref_squeeze %dma_wait3A_123 : memref<1x128xf32, #tpu.memory_space<vmem>> -> memref<128xf32, #tpu.memory_space<vmem>>
      %dma_wait3A_125 = arith.constant 256 : i32
      %dma_wait3A_126 = tpu.memref_slice %arg11[%dma_wait3A_125] : memref<512xi32, #tpu.memory_space<vmem>> -> memref<128xi32, #tpu.memory_space<vmem>>
      %dma_wait3A_127 = tpu.memref_slice %arg3[%mul3A_121] : memref<32014336xf32, #tpu.memory_space<hbm>> -> memref<1000448xf32, #tpu.memory_space<hbm>>
      %dma_wait3A_128 = arith.constant 0 : i32
      %dma_wait3A_129 = tpu.memref_slice %dma_wait3A_127[%dma_wait3A_128] : memref<1000448xf32, #tpu.memory_space<hbm>> -> memref<1000448xf32, #tpu.memory_space<hbm>>
      tpu.wait_indirect_dma semaphore(%arg17 : memref<!tpu.dma_semaphore, #tpu.memory_space<semaphore_mem>>) src(%dma_wait3A_129 : memref<1000448xf32, #tpu.memory_space<hbm>>) dst(%dma_wait3A_124 : memref<128xf32, #tpu.memory_space<vmem>>)
      %mul3A_130 = arith.constant 1000448 : i32
      %mul3A_131 = arith.muli %scan3A_20, %mul3A_130 : i32
      %dma_wait3A_132 = arith.constant 384 : i32
      %dma_wait3A_133 = tpu.memref_slice %arg14[%scan3A_20, %dma_wait3A_132] : memref<32x512xf32, #tpu.memory_space<vmem>> -> memref<1x128xf32, #tpu.memory_space<vmem>>
      %dma_wait3A_134 = tpu.memref_squeeze %dma_wait3A_133 : memref<1x128xf32, #tpu.memory_space<vmem>> -> memref<128xf32, #tpu.memory_space<vmem>>
      %dma_wait3A_135 = arith.constant 384 : i32
      %dma_wait3A_136 = tpu.memref_slice %arg11[%dma_wait3A_135] : memref<512xi32, #tpu.memory_space<vmem>> -> memref<128xi32, #tpu.memory_space<vmem>>
      %dma_wait3A_137 = tpu.memref_slice %arg3[%mul3A_131] : memref<32014336xf32, #tpu.memory_space<hbm>> -> memref<1000448xf32, #tpu.memory_space<hbm>>
      %dma_wait3A_138 = arith.constant 0 : i32
      %dma_wait3A_139 = tpu.memref_slice %dma_wait3A_137[%dma_wait3A_138] : memref<1000448xf32, #tpu.memory_space<hbm>> -> memref<1000448xf32, #tpu.memory_space<hbm>>
      tpu.wait_indirect_dma semaphore(%arg17 : memref<!tpu.dma_semaphore, #tpu.memory_space<semaphore_mem>>) src(%dma_wait3A_139 : memref<1000448xf32, #tpu.memory_space<hbm>>) dst(%dma_wait3A_134 : memref<128xf32, #tpu.memory_space<vmem>>)
    }
    %scan3A_13 = arith.constant 32 : i32
    %scan3A_14 = arith.constant 0 : i32
    %scan3A_15 = arith.constant 0 : i32
    %scan3A_16 = arith.constant 32 : i32
    %scan3A_17 = arith.addi %scan3A_15, %scan3A_16 : i32
    %scan3A_18 = arith.constant 1 : i32
    scf.for %scan3A_20 = %scan3A_15 to %scan3A_17 step %scan3A_18  : i32 {
      %mul3A_21 = arith.constant 16 : i32
      %mul3A_22 = arith.muli %scan3A_20, %mul3A_21 : i32
      %broadcast_in_dim3A = arith.constant 0.000000e+00 : f32
      %broadcast_in_dim3A_23 = vector.broadcast %broadcast_in_dim3A : f32 to vector<16xf32>
      %broadcast_in_dim3A_24 = arith.constant 0.000000e+00 : f32
      %broadcast_in_dim3A_25 = vector.broadcast %broadcast_in_dim3A_24 : f32 to vector<16xf32>
      %get3A = arith.constant 0 : i32
      %get3A_26 = arith.index_cast %get3A : i32 to index
      %get3A_27 = arith.index_cast %mul3A_22 : i32 to index
      %get3A_28 = tpu.vector_load %arg12[%get3A_26, %get3A_27] {strides = array<i32>} : memref<32x512xf32, #tpu.memory_space<vmem>>, vector<16xf32>,
      %get3A_29 = arith.constant 0 : i32
      %get3A_30 = arith.index_cast %get3A_29 : i32 to index
      %get3A_31 = arith.index_cast %mul3A_22 : i32 to index
      %get3A_32 = tpu.vector_load %arg13[%get3A_30, %get3A_31] {strides = array<i32>} : memref<32x512xf32, #tpu.memory_space<vmem>>, vector<16xf32>,
      %get3A_33 = arith.constant 0 : i32
      %get3A_34 = arith.index_cast %get3A_33 : i32 to index
      %get3A_35 = arith.index_cast %mul3A_22 : i32 to index
      %get3A_36 = tpu.vector_load %arg14[%get3A_34, %get3A_35] {strides = array<i32>} : memref<32x512xf32, #tpu.memory_space<vmem>>, vector<16xf32>,
      %mul3A_37 = arith.mulf %get3A_28, %get3A_32 : vector<16xf32>
      %add3A_38 = arith.addf %broadcast_in_dim3A_23, %mul3A_37 : vector<16xf32>
      %mul3A_39 = arith.mulf %get3A_28, %get3A_36 : vector<16xf32>
      %add3A_40 = arith.addf %broadcast_in_dim3A_25, %mul3A_39 : vector<16xf32>
      %get3A_41 = arith.constant 1 : i32
      %get3A_42 = arith.index_cast %get3A_41 : i32 to index
      %get3A_43 = arith.index_cast %mul3A_22 : i32 to index
      %get3A_44 = tpu.vector_load %arg12[%get3A_42, %get3A_43] {strides = array<i32>} : memref<32x512xf32, #tpu.memory_space<vmem>>, vector<16xf32>,
      %get3A_45 = arith.constant 1 : i32
      %get3A_46 = arith.index_cast %get3A_45 : i32 to index
      %get3A_47 = arith.index_cast %mul3A_22 : i32 to index
      %get3A_48 = tpu.vector_load %arg13[%get3A_46, %get3A_47] {strides = array<i32>} : memref<32x512xf32, #tpu.memory_space<vmem>>, vector<16xf32>,
      %get3A_49 = arith.constant 1 : i32
      %get3A_50 = arith.index_cast %get3A_49 : i32 to index
      %get3A_51 = arith.index_cast %mul3A_22 : i32 to index
      %get3A_52 = tpu.vector_load %arg14[%get3A_50, %get3A_51] {strides = array<i32>} : memref<32x512xf32, #tpu.memory_space<vmem>>, vector<16xf32>,
      %mul3A_53 = arith.mulf %get3A_44, %get3A_48 : vector<16xf32>
      %add3A_54 = arith.addf %add3A_38, %mul3A_53 : vector<16xf32>
      %mul3A_55 = arith.mulf %get3A_44, %get3A_52 : vector<16xf32>
      %add3A_56 = arith.addf %add3A_40, %mul3A_55 : vector<16xf32>
      %get3A_57 = arith.constant 2 : i32
      %get3A_58 = arith.index_cast %get3A_57 : i32 to index
      %get3A_59 = arith.index_cast %mul3A_22 : i32 to index
      %get3A_60 = tpu.vector_load %arg12[%get3A_58, %get3A_59] {strides = array<i32>} : memref<32x512xf32, #tpu.memory_space<vmem>>, vector<16xf32>,
      %get3A_61 = arith.constant 2 : i32
      %get3A_62 = arith.index_cast %get3A_61 : i32 to index
      %get3A_63 = arith.index_cast %mul3A_22 : i32 to index
      %get3A_64 = tpu.vector_load %arg13[%get3A_62, %get3A_63] {strides = array<i32>} : memref<32x512xf32, #tpu.memory_space<vmem>>, vector<16xf32>,
      %get3A_65 = arith.constant 2 : i32
      %get3A_66 = arith.index_cast %get3A_65 : i32 to index
      %get3A_67 = arith.index_cast %mul3A_22 : i32 to index
      %get3A_68 = tpu.vector_load %arg14[%get3A_66, %get3A_67] {strides = array<i32>} : memref<32x512xf32, #tpu.memory_space<vmem>>, vector<16xf32>,
      %mul3A_69 = arith.mulf %get3A_60, %get3A_64 : vector<16xf32>
      %add3A_70 = arith.addf %add3A_54, %mul3A_69 : vector<16xf32>
      %mul3A_71 = arith.mulf %get3A_60, %get3A_68 : vector<16xf32>
      %add3A_72 = arith.addf %add3A_56, %mul3A_71 : vector<16xf32>
      %get3A_73 = arith.constant 3 : i32
      %get3A_74 = arith.index_cast %get3A_73 : i32 to index
      %get3A_75 = arith.index_cast %mul3A_22 : i32 to index
      %get3A_76 = tpu.vector_load %arg12[%get3A_74, %get3A_75] {strides = array<i32>} : memref<32x512xf32, #tpu.memory_space<vmem>>, vector<16xf32>,
      %get3A_77 = arith.constant 3 : i32
      %get3A_78 = arith.index_cast %get3A_77 : i32 to index
      %get3A_79 = arith.index_cast %mul3A_22 : i32 to index
      %get3A_80 = tpu.vector_load %arg13[%get3A_78, %get3A_79] {strides = array<i32>} : memref<32x512xf32, #tpu.memory_space<vmem>>, vector<16xf32>,
      %get3A_81 = arith.constant 3 : i32
      %get3A_82 = arith.index_cast %get3A_81 : i32 to index
      %get3A_83 = arith.index_cast %mul3A_22 : i32 to index
      %get3A_84 = tpu.vector_load %arg14[%get3A_82, %get3A_83] {strides = array<i32>} : memref<32x512xf32, #tpu.memory_space<vmem>>, vector<16xf32>,
      %mul3A_85 = arith.mulf %get3A_76, %get3A_80 : vector<16xf32>
      %add3A_86 = arith.addf %add3A_70, %mul3A_85 : vector<16xf32>
      %mul3A_87 = arith.mulf %get3A_76, %get3A_84 : vector<16xf32>
      %add3A_88 = arith.addf %add3A_72, %mul3A_87 : vector<16xf32>
      %get3A_89 = arith.constant 4 : i32
      %get3A_90 = arith.index_cast %get3A_89 : i32 to index
      %get3A_91 = arith.index_cast %mul3A_22 : i32 to index
      %get3A_92 = tpu.vector_load %arg12[%get3A_90, %get3A_91] {strides = array<i32>} : memref<32x512xf32, #tpu.memory_space<vmem>>, vector<16xf32>,
      %get3A_93 = arith.constant 4 : i32
      %get3A_94 = arith.index_cast %get3A_93 : i32 to index
      %get3A_95 = arith.index_cast %mul3A_22 : i32 to index
      %get3A_96 = tpu.vector_load %arg13[%get3A_94, %get3A_95] {strides = array<i32>} : memref<32x512xf32, #tpu.memory_space<vmem>>, vector<16xf32>,
      %get3A_97 = arith.constant 4 : i32
      %get3A_98 = arith.index_cast %get3A_97 : i32 to index
      %get3A_99 = arith.index_cast %mul3A_22 : i32 to index
      %get3A_100 = tpu.vector_load %arg14[%get3A_98, %get3A_99] {strides = array<i32>} : memref<32x512xf32, #tpu.memory_space<vmem>>, vector<16xf32>,
      %mul3A_101 = arith.mulf %get3A_92, %get3A_96 : vector<16xf32>
      %add3A_102 = arith.addf %add3A_86, %mul3A_101 : vector<16xf32>
      %mul3A_103 = arith.mulf %get3A_92, %get3A_100 : vector<16xf32>
      %add3A_104 = arith.addf %add3A_88, %mul3A_103 : vector<16xf32>
      %get3A_105 = arith.constant 5 : i32
      %get3A_106 = arith.index_cast %get3A_105 : i32 to index
      %get3A_107 = arith.index_cast %mul3A_22 : i32 to index
      %get3A_108 = tpu.vector_load %arg12[%get3A_106, %get3A_107] {strides = array<i32>} : memref<32x512xf32, #tpu.memory_space<vmem>>, vector<16xf32>,
      %get3A_109 = arith.constant 5 : i32
      %get3A_110 = arith.index_cast %get3A_109 : i32 to index
      %get3A_111 = arith.index_cast %mul3A_22 : i32 to index
      %get3A_112 = tpu.vector_load %arg13[%get3A_110, %get3A_111] {strides = array<i32>} : memref<32x512xf32, #tpu.memory_space<vmem>>, vector<16xf32>,
      %get3A_113 = arith.constant 5 : i32
      %get3A_114 = arith.index_cast %get3A_113 : i32 to index
      %get3A_115 = arith.index_cast %mul3A_22 : i32 to index
      %get3A_116 = tpu.vector_load %arg14[%get3A_114, %get3A_115] {strides = array<i32>} : memref<32x512xf32, #tpu.memory_space<vmem>>, vector<16xf32>,
      %mul3A_117 = arith.mulf %get3A_108, %get3A_112 : vector<16xf32>
      %add3A_118 = arith.addf %add3A_102, %mul3A_117 : vector<16xf32>
      %mul3A_119 = arith.mulf %get3A_108, %get3A_116 : vector<16xf32>
      %add3A_120 = arith.addf %add3A_104, %mul3A_119 : vector<16xf32>
      %get3A_121 = arith.constant 6 : i32
      %get3A_122 = arith.index_cast %get3A_121 : i32 to index
      %get3A_123 = arith.index_cast %mul3A_22 : i32 to index
      %get3A_124 = tpu.vector_load %arg12[%get3A_122, %get3A_123] {strides = array<i32>} : memref<32x512xf32, #tpu.memory_space<vmem>>, vector<16xf32>,
      %get3A_125 = arith.constant 6 : i32
      %get3A_126 = arith.index_cast %get3A_125 : i32 to index
      %get3A_127 = arith.index_cast %mul3A_22 : i32 to index
      %get3A_128 = tpu.vector_load %arg13[%get3A_126, %get3A_127] {strides = array<i32>} : memref<32x512xf32, #tpu.memory_space<vmem>>, vector<16xf32>,
      %get3A_129 = arith.constant 6 : i32
      %get3A_130 = arith.index_cast %get3A_129 : i32 to index
      %get3A_131 = arith.index_cast %mul3A_22 : i32 to index
      %get3A_132 = tpu.vector_load %arg14[%get3A_130, %get3A_131] {strides = array<i32>} : memref<32x512xf32, #tpu.memory_space<vmem>>, vector<16xf32>,
      %mul3A_133 = arith.mulf %get3A_124, %get3A_128 : vector<16xf32>
      %add3A_134 = arith.addf %add3A_118, %mul3A_133 : vector<16xf32>
      %mul3A_135 = arith.mulf %get3A_124, %get3A_132 : vector<16xf32>
      %add3A_136 = arith.addf %add3A_120, %mul3A_135 : vector<16xf32>
      %get3A_137 = arith.constant 7 : i32
      %get3A_138 = arith.index_cast %get3A_137 : i32 to index
      %get3A_139 = arith.index_cast %mul3A_22 : i32 to index
      %get3A_140 = tpu.vector_load %arg12[%get3A_138, %get3A_139] {strides = array<i32>} : memref<32x512xf32, #tpu.memory_space<vmem>>, vector<16xf32>,
      %get3A_141 = arith.constant 7 : i32
      %get3A_142 = arith.index_cast %get3A_141 : i32 to index
      %get3A_143 = arith.index_cast %mul3A_22 : i32 to index
      %get3A_144 = tpu.vector_load %arg13[%get3A_142, %get3A_143] {strides = array<i32>} : memref<32x512xf32, #tpu.memory_space<vmem>>, vector<16xf32>,
      %get3A_145 = arith.constant 7 : i32
      %get3A_146 = arith.index_cast %get3A_145 : i32 to index
      %get3A_147 = arith.index_cast %mul3A_22 : i32 to index
      %get3A_148 = tpu.vector_load %arg14[%get3A_146, %get3A_147] {strides = array<i32>} : memref<32x512xf32, #tpu.memory_space<vmem>>, vector<16xf32>,
      %mul3A_149 = arith.mulf %get3A_140, %get3A_144 : vector<16xf32>
      %add3A_150 = arith.addf %add3A_134, %mul3A_149 : vector<16xf32>
      %mul3A_151 = arith.mulf %get3A_140, %get3A_148 : vector<16xf32>
      %add3A_152 = arith.addf %add3A_136, %mul3A_151 : vector<16xf32>
      %get3A_153 = arith.constant 8 : i32
      %get3A_154 = arith.index_cast %get3A_153 : i32 to index
      %get3A_155 = arith.index_cast %mul3A_22 : i32 to index
      %get3A_156 = tpu.vector_load %arg12[%get3A_154, %get3A_155] {strides = array<i32>} : memref<32x512xf32, #tpu.memory_space<vmem>>, vector<16xf32>,
      %get3A_157 = arith.constant 8 : i32
      %get3A_158 = arith.index_cast %get3A_157 : i32 to index
      %get3A_159 = arith.index_cast %mul3A_22 : i32 to index
      %get3A_160 = tpu.vector_load %arg13[%get3A_158, %get3A_159] {strides = array<i32>} : memref<32x512xf32, #tpu.memory_space<vmem>>, vector<16xf32>,
      %get3A_161 = arith.constant 8 : i32
      %get3A_162 = arith.index_cast %get3A_161 : i32 to index
      %get3A_163 = arith.index_cast %mul3A_22 : i32 to index
      %get3A_164 = tpu.vector_load %arg14[%get3A_162, %get3A_163] {strides = array<i32>} : memref<32x512xf32, #tpu.memory_space<vmem>>, vector<16xf32>,
      %mul3A_165 = arith.mulf %get3A_156, %get3A_160 : vector<16xf32>
      %add3A_166 = arith.addf %add3A_150, %mul3A_165 : vector<16xf32>
      %mul3A_167 = arith.mulf %get3A_156, %get3A_164 : vector<16xf32>
      %add3A_168 = arith.addf %add3A_152, %mul3A_167 : vector<16xf32>
      %get3A_169 = arith.constant 9 : i32
      %get3A_170 = arith.index_cast %get3A_169 : i32 to index
      %get3A_171 = arith.index_cast %mul3A_22 : i32 to index
      %get3A_172 = tpu.vector_load %arg12[%get3A_170, %get3A_171] {strides = array<i32>} : memref<32x512xf32, #tpu.memory_space<vmem>>, vector<16xf32>,
      %get3A_173 = arith.constant 9 : i32
      %get3A_174 = arith.index_cast %get3A_173 : i32 to index
      %get3A_175 = arith.index_cast %mul3A_22 : i32 to index
      %get3A_176 = tpu.vector_load %arg13[%get3A_174, %get3A_175] {strides = array<i32>} : memref<32x512xf32, #tpu.memory_space<vmem>>, vector<16xf32>,
      %get3A_177 = arith.constant 9 : i32
      %get3A_178 = arith.index_cast %get3A_177 : i32 to index
      %get3A_179 = arith.index_cast %mul3A_22 : i32 to index
      %get3A_180 = tpu.vector_load %arg14[%get3A_178, %get3A_179] {strides = array<i32>} : memref<32x512xf32, #tpu.memory_space<vmem>>, vector<16xf32>,
      %mul3A_181 = arith.mulf %get3A_172, %get3A_176 : vector<16xf32>
      %add3A_182 = arith.addf %add3A_166, %mul3A_181 : vector<16xf32>
      %mul3A_183 = arith.mulf %get3A_172, %get3A_180 : vector<16xf32>
      %add3A_184 = arith.addf %add3A_168, %mul3A_183 : vector<16xf32>
      %get3A_185 = arith.constant 10 : i32
      %get3A_186 = arith.index_cast %get3A_185 : i32 to index
      %get3A_187 = arith.index_cast %mul3A_22 : i32 to index
      %get3A_188 = tpu.vector_load %arg12[%get3A_186, %get3A_187] {strides = array<i32>} : memref<32x512xf32, #tpu.memory_space<vmem>>, vector<16xf32>,
      %get3A_189 = arith.constant 10 : i32
      %get3A_190 = arith.index_cast %get3A_189 : i32 to index
      %get3A_191 = arith.index_cast %mul3A_22 : i32 to index
      %get3A_192 = tpu.vector_load %arg13[%get3A_190, %get3A_191] {strides = array<i32>} : memref<32x512xf32, #tpu.memory_space<vmem>>, vector<16xf32>,
      %get3A_193 = arith.constant 10 : i32
      %get3A_194 = arith.index_cast %get3A_193 : i32 to index
      %get3A_195 = arith.index_cast %mul3A_22 : i32 to index
      %get3A_196 = tpu.vector_load %arg14[%get3A_194, %get3A_195] {strides = array<i32>} : memref<32x512xf32, #tpu.memory_space<vmem>>, vector<16xf32>,
      %mul3A_197 = arith.mulf %get3A_188, %get3A_192 : vector<16xf32>
      %add3A_198 = arith.addf %add3A_182, %mul3A_197 : vector<16xf32>
      %mul3A_199 = arith.mulf %get3A_188, %get3A_196 : vector<16xf32>
      %add3A_200 = arith.addf %add3A_184, %mul3A_199 : vector<16xf32>
      %get3A_201 = arith.constant 11 : i32
      %get3A_202 = arith.index_cast %get3A_201 : i32 to index
      %get3A_203 = arith.index_cast %mul3A_22 : i32 to index
      %get3A_204 = tpu.vector_load %arg12[%get3A_202, %get3A_203] {strides = array<i32>} : memref<32x512xf32, #tpu.memory_space<vmem>>, vector<16xf32>,
      %get3A_205 = arith.constant 11 : i32
      %get3A_206 = arith.index_cast %get3A_205 : i32 to index
      %get3A_207 = arith.index_cast %mul3A_22 : i32 to index
      %get3A_208 = tpu.vector_load %arg13[%get3A_206, %get3A_207] {strides = array<i32>} : memref<32x512xf32, #tpu.memory_space<vmem>>, vector<16xf32>,
      %get3A_209 = arith.constant 11 : i32
      %get3A_210 = arith.index_cast %get3A_209 : i32 to index
      %get3A_211 = arith.index_cast %mul3A_22 : i32 to index
      %get3A_212 = tpu.vector_load %arg14[%get3A_210, %get3A_211] {strides = array<i32>} : memref<32x512xf32, #tpu.memory_space<vmem>>, vector<16xf32>,
      %mul3A_213 = arith.mulf %get3A_204, %get3A_208 : vector<16xf32>
      %add3A_214 = arith.addf %add3A_198, %mul3A_213 : vector<16xf32>
      %mul3A_215 = arith.mulf %get3A_204, %get3A_212 : vector<16xf32>
      %add3A_216 = arith.addf %add3A_200, %mul3A_215 : vector<16xf32>
      %get3A_217 = arith.constant 12 : i32
      %get3A_218 = arith.index_cast %get3A_217 : i32 to index
      %get3A_219 = arith.index_cast %mul3A_22 : i32 to index
      %get3A_220 = tpu.vector_load %arg12[%get3A_218, %get3A_219] {strides = array<i32>} : memref<32x512xf32, #tpu.memory_space<vmem>>, vector<16xf32>,
      %get3A_221 = arith.constant 12 : i32
      %get3A_222 = arith.index_cast %get3A_221 : i32 to index
      %get3A_223 = arith.index_cast %mul3A_22 : i32 to index
      %get3A_224 = tpu.vector_load %arg13[%get3A_222, %get3A_223] {strides = array<i32>} : memref<32x512xf32, #tpu.memory_space<vmem>>, vector<16xf32>,
      %get3A_225 = arith.constant 12 : i32
      %get3A_226 = arith.index_cast %get3A_225 : i32 to index
      %get3A_227 = arith.index_cast %mul3A_22 : i32 to index
      %get3A_228 = tpu.vector_load %arg14[%get3A_226, %get3A_227] {strides = array<i32>} : memref<32x512xf32, #tpu.memory_space<vmem>>, vector<16xf32>,
      %mul3A_229 = arith.mulf %get3A_220, %get3A_224 : vector<16xf32>
      %add3A_230 = arith.addf %add3A_214, %mul3A_229 : vector<16xf32>
      %mul3A_231 = arith.mulf %get3A_220, %get3A_228 : vector<16xf32>
      %add3A_232 = arith.addf %add3A_216, %mul3A_231 : vector<16xf32>
      %get3A_233 = arith.constant 13 : i32
      %get3A_234 = arith.index_cast %get3A_233 : i32 to index
      %get3A_235 = arith.index_cast %mul3A_22 : i32 to index
      %get3A_236 = tpu.vector_load %arg12[%get3A_234, %get3A_235] {strides = array<i32>} : memref<32x512xf32, #tpu.memory_space<vmem>>, vector<16xf32>,
      %get3A_237 = arith.constant 13 : i32
      %get3A_238 = arith.index_cast %get3A_237 : i32 to index
      %get3A_239 = arith.index_cast %mul3A_22 : i32 to index
      %get3A_240 = tpu.vector_load %arg13[%get3A_238, %get3A_239] {strides = array<i32>} : memref<32x512xf32, #tpu.memory_space<vmem>>, vector<16xf32>,
      %get3A_241 = arith.constant 13 : i32
      %get3A_242 = arith.index_cast %get3A_241 : i32 to index
      %get3A_243 = arith.index_cast %mul3A_22 : i32 to index
      %get3A_244 = tpu.vector_load %arg14[%get3A_242, %get3A_243] {strides = array<i32>} : memref<32x512xf32, #tpu.memory_space<vmem>>, vector<16xf32>,
      %mul3A_245 = arith.mulf %get3A_236, %get3A_240 : vector<16xf32>
      %add3A_246 = arith.addf %add3A_230, %mul3A_245 : vector<16xf32>
      %mul3A_247 = arith.mulf %get3A_236, %get3A_244 : vector<16xf32>
      %add3A_248 = arith.addf %add3A_232, %mul3A_247 : vector<16xf32>
      %get3A_249 = arith.constant 14 : i32
      %get3A_250 = arith.index_cast %get3A_249 : i32 to index
      %get3A_251 = arith.index_cast %mul3A_22 : i32 to index
      %get3A_252 = tpu.vector_load %arg12[%get3A_250, %get3A_251] {strides = array<i32>} : memref<32x512xf32, #tpu.memory_space<vmem>>, vector<16xf32>,
      %get3A_253 = arith.constant 14 : i32
      %get3A_254 = arith.index_cast %get3A_253 : i32 to index
      %get3A_255 = arith.index_cast %mul3A_22 : i32 to index
      %get3A_256 = tpu.vector_load %arg13[%get3A_254, %get3A_255] {strides = array<i32>} : memref<32x512xf32, #tpu.memory_space<vmem>>, vector<16xf32>,
      %get3A_257 = arith.constant 14 : i32
      %get3A_258 = arith.index_cast %get3A_257 : i32 to index
      %get3A_259 = arith.index_cast %mul3A_22 : i32 to index
      %get3A_260 = tpu.vector_load %arg14[%get3A_258, %get3A_259] {strides = array<i32>} : memref<32x512xf32, #tpu.memory_space<vmem>>, vector<16xf32>,
      %mul3A_261 = arith.mulf %get3A_252, %get3A_256 : vector<16xf32>
      %add3A_262 = arith.addf %add3A_246, %mul3A_261 : vector<16xf32>
      %mul3A_263 = arith.mulf %get3A_252, %get3A_260 : vector<16xf32>
      %add3A_264 = arith.addf %add3A_248, %mul3A_263 : vector<16xf32>
      %get3A_265 = arith.constant 15 : i32
      %get3A_266 = arith.index_cast %get3A_265 : i32 to index
      %get3A_267 = arith.index_cast %mul3A_22 : i32 to index
      %get3A_268 = tpu.vector_load %arg12[%get3A_266, %get3A_267] {strides = array<i32>} : memref<32x512xf32, #tpu.memory_space<vmem>>, vector<16xf32>,
      %get3A_269 = arith.constant 15 : i32
      %get3A_270 = arith.index_cast %get3A_269 : i32 to index
      %get3A_271 = arith.index_cast %mul3A_22 : i32 to index
      %get3A_272 = tpu.vector_load %arg13[%get3A_270, %get3A_271] {strides = array<i32>} : memref<32x512xf32, #tpu.memory_space<vmem>>, vector<16xf32>,
      %get3A_273 = arith.constant 15 : i32
      %get3A_274 = arith.index_cast %get3A_273 : i32 to index
      %get3A_275 = arith.index_cast %mul3A_22 : i32 to index
      %get3A_276 = tpu.vector_load %arg14[%get3A_274, %get3A_275] {strides = array<i32>} : memref<32x512xf32, #tpu.memory_space<vmem>>, vector<16xf32>,
      %mul3A_277 = arith.mulf %get3A_268, %get3A_272 : vector<16xf32>
      %add3A_278 = arith.addf %add3A_262, %mul3A_277 : vector<16xf32>
      %mul3A_279 = arith.mulf %get3A_268, %get3A_276 : vector<16xf32>
      %add3A_280 = arith.addf %add3A_264, %mul3A_279 : vector<16xf32>
      %get3A_281 = arith.constant 16 : i32
      %get3A_282 = arith.index_cast %get3A_281 : i32 to index
      %get3A_283 = arith.index_cast %mul3A_22 : i32 to index
      %get3A_284 = tpu.vector_load %arg12[%get3A_282, %get3A_283] {strides = array<i32>} : memref<32x512xf32, #tpu.memory_space<vmem>>, vector<16xf32>,
      %get3A_285 = arith.constant 16 : i32
      %get3A_286 = arith.index_cast %get3A_285 : i32 to index
      %get3A_287 = arith.index_cast %mul3A_22 : i32 to index
      %get3A_288 = tpu.vector_load %arg13[%get3A_286, %get3A_287] {strides = array<i32>} : memref<32x512xf32, #tpu.memory_space<vmem>>, vector<16xf32>,
      %get3A_289 = arith.constant 16 : i32
      %get3A_290 = arith.index_cast %get3A_289 : i32 to index
      %get3A_291 = arith.index_cast %mul3A_22 : i32 to index
      %get3A_292 = tpu.vector_load %arg14[%get3A_290, %get3A_291] {strides = array<i32>} : memref<32x512xf32, #tpu.memory_space<vmem>>, vector<16xf32>,
      %mul3A_293 = arith.mulf %get3A_284, %get3A_288 : vector<16xf32>
      %add3A_294 = arith.addf %add3A_278, %mul3A_293 : vector<16xf32>
      %mul3A_295 = arith.mulf %get3A_284, %get3A_292 : vector<16xf32>
      %add3A_296 = arith.addf %add3A_280, %mul3A_295 : vector<16xf32>
      %get3A_297 = arith.constant 17 : i32
      %get3A_298 = arith.index_cast %get3A_297 : i32 to index
      %get3A_299 = arith.index_cast %mul3A_22 : i32 to index
      %get3A_300 = tpu.vector_load %arg12[%get3A_298, %get3A_299] {strides = array<i32>} : memref<32x512xf32, #tpu.memory_space<vmem>>, vector<16xf32>,
      %get3A_301 = arith.constant 17 : i32
      %get3A_302 = arith.index_cast %get3A_301 : i32 to index
      %get3A_303 = arith.index_cast %mul3A_22 : i32 to index
      %get3A_304 = tpu.vector_load %arg13[%get3A_302, %get3A_303] {strides = array<i32>} : memref<32x512xf32, #tpu.memory_space<vmem>>, vector<16xf32>,
      %get3A_305 = arith.constant 17 : i32
      %get3A_306 = arith.index_cast %get3A_305 : i32 to index
      %get3A_307 = arith.index_cast %mul3A_22 : i32 to index
      %get3A_308 = tpu.vector_load %arg14[%get3A_306, %get3A_307] {strides = array<i32>} : memref<32x512xf32, #tpu.memory_space<vmem>>, vector<16xf32>,
      %mul3A_309 = arith.mulf %get3A_300, %get3A_304 : vector<16xf32>
      %add3A_310 = arith.addf %add3A_294, %mul3A_309 : vector<16xf32>
      %mul3A_311 = arith.mulf %get3A_300, %get3A_308 : vector<16xf32>
      %add3A_312 = arith.addf %add3A_296, %mul3A_311 : vector<16xf32>
      %get3A_313 = arith.constant 18 : i32
      %get3A_314 = arith.index_cast %get3A_313 : i32 to index
      %get3A_315 = arith.index_cast %mul3A_22 : i32 to index
      %get3A_316 = tpu.vector_load %arg12[%get3A_314, %get3A_315] {strides = array<i32>} : memref<32x512xf32, #tpu.memory_space<vmem>>, vector<16xf32>,
      %get3A_317 = arith.constant 18 : i32
      %get3A_318 = arith.index_cast %get3A_317 : i32 to index
      %get3A_319 = arith.index_cast %mul3A_22 : i32 to index
      %get3A_320 = tpu.vector_load %arg13[%get3A_318, %get3A_319] {strides = array<i32>} : memref<32x512xf32, #tpu.memory_space<vmem>>, vector<16xf32>,
      %get3A_321 = arith.constant 18 : i32
      %get3A_322 = arith.index_cast %get3A_321 : i32 to index
      %get3A_323 = arith.index_cast %mul3A_22 : i32 to index
      %get3A_324 = tpu.vector_load %arg14[%get3A_322, %get3A_323] {strides = array<i32>} : memref<32x512xf32, #tpu.memory_space<vmem>>, vector<16xf32>,
      %mul3A_325 = arith.mulf %get3A_316, %get3A_320 : vector<16xf32>
      %add3A_326 = arith.addf %add3A_310, %mul3A_325 : vector<16xf32>
      %mul3A_327 = arith.mulf %get3A_316, %get3A_324 : vector<16xf32>
      %add3A_328 = arith.addf %add3A_312, %mul3A_327 : vector<16xf32>
      %get3A_329 = arith.constant 19 : i32
      %get3A_330 = arith.index_cast %get3A_329 : i32 to index
      %get3A_331 = arith.index_cast %mul3A_22 : i32 to index
      %get3A_332 = tpu.vector_load %arg12[%get3A_330, %get3A_331] {strides = array<i32>} : memref<32x512xf32, #tpu.memory_space<vmem>>, vector<16xf32>,
      %get3A_333 = arith.constant 19 : i32
      %get3A_334 = arith.index_cast %get3A_333 : i32 to index
      %get3A_335 = arith.index_cast %mul3A_22 : i32 to index
      %get3A_336 = tpu.vector_load %arg13[%get3A_334, %get3A_335] {strides = array<i32>} : memref<32x512xf32, #tpu.memory_space<vmem>>, vector<16xf32>,
      %get3A_337 = arith.constant 19 : i32
      %get3A_338 = arith.index_cast %get3A_337 : i32 to index
      %get3A_339 = arith.index_cast %mul3A_22 : i32 to index
      %get3A_340 = tpu.vector_load %arg14[%get3A_338, %get3A_339] {strides = array<i32>} : memref<32x512xf32, #tpu.memory_space<vmem>>, vector<16xf32>,
      %mul3A_341 = arith.mulf %get3A_332, %get3A_336 : vector<16xf32>
      %add3A_342 = arith.addf %add3A_326, %mul3A_341 : vector<16xf32>
      %mul3A_343 = arith.mulf %get3A_332, %get3A_340 : vector<16xf32>
      %add3A_344 = arith.addf %add3A_328, %mul3A_343 : vector<16xf32>
      %get3A_345 = arith.constant 20 : i32
      %get3A_346 = arith.index_cast %get3A_345 : i32 to index
      %get3A_347 = arith.index_cast %mul3A_22 : i32 to index
      %get3A_348 = tpu.vector_load %arg12[%get3A_346, %get3A_347] {strides = array<i32>} : memref<32x512xf32, #tpu.memory_space<vmem>>, vector<16xf32>,
      %get3A_349 = arith.constant 20 : i32
      %get3A_350 = arith.index_cast %get3A_349 : i32 to index
      %get3A_351 = arith.index_cast %mul3A_22 : i32 to index
      %get3A_352 = tpu.vector_load %arg13[%get3A_350, %get3A_351] {strides = array<i32>} : memref<32x512xf32, #tpu.memory_space<vmem>>, vector<16xf32>,
      %get3A_353 = arith.constant 20 : i32
      %get3A_354 = arith.index_cast %get3A_353 : i32 to index
      %get3A_355 = arith.index_cast %mul3A_22 : i32 to index
      %get3A_356 = tpu.vector_load %arg14[%get3A_354, %get3A_355] {strides = array<i32>} : memref<32x512xf32, #tpu.memory_space<vmem>>, vector<16xf32>,
      %mul3A_357 = arith.mulf %get3A_348, %get3A_352 : vector<16xf32>
      %add3A_358 = arith.addf %add3A_342, %mul3A_357 : vector<16xf32>
      %mul3A_359 = arith.mulf %get3A_348, %get3A_356 : vector<16xf32>
      %add3A_360 = arith.addf %add3A_344, %mul3A_359 : vector<16xf32>
      %get3A_361 = arith.constant 21 : i32
      %get3A_362 = arith.index_cast %get3A_361 : i32 to index
      %get3A_363 = arith.index_cast %mul3A_22 : i32 to index
      %get3A_364 = tpu.vector_load %arg12[%get3A_362, %get3A_363] {strides = array<i32>} : memref<32x512xf32, #tpu.memory_space<vmem>>, vector<16xf32>,
      %get3A_365 = arith.constant 21 : i32
      %get3A_366 = arith.index_cast %get3A_365 : i32 to index
      %get3A_367 = arith.index_cast %mul3A_22 : i32 to index
      %get3A_368 = tpu.vector_load %arg13[%get3A_366, %get3A_367] {strides = array<i32>} : memref<32x512xf32, #tpu.memory_space<vmem>>, vector<16xf32>,
      %get3A_369 = arith.constant 21 : i32
      %get3A_370 = arith.index_cast %get3A_369 : i32 to index
      %get3A_371 = arith.index_cast %mul3A_22 : i32 to index
      %get3A_372 = tpu.vector_load %arg14[%get3A_370, %get3A_371] {strides = array<i32>} : memref<32x512xf32, #tpu.memory_space<vmem>>, vector<16xf32>,
      %mul3A_373 = arith.mulf %get3A_364, %get3A_368 : vector<16xf32>
      %add3A_374 = arith.addf %add3A_358, %mul3A_373 : vector<16xf32>
      %mul3A_375 = arith.mulf %get3A_364, %get3A_372 : vector<16xf32>
      %add3A_376 = arith.addf %add3A_360, %mul3A_375 : vector<16xf32>
      %get3A_377 = arith.constant 22 : i32
      %get3A_378 = arith.index_cast %get3A_377 : i32 to index
      %get3A_379 = arith.index_cast %mul3A_22 : i32 to index
      %get3A_380 = tpu.vector_load %arg12[%get3A_378, %get3A_379] {strides = array<i32>} : memref<32x512xf32, #tpu.memory_space<vmem>>, vector<16xf32>,
      %get3A_381 = arith.constant 22 : i32
      %get3A_382 = arith.index_cast %get3A_381 : i32 to index
      %get3A_383 = arith.index_cast %mul3A_22 : i32 to index
      %get3A_384 = tpu.vector_load %arg13[%get3A_382, %get3A_383] {strides = array<i32>} : memref<32x512xf32, #tpu.memory_space<vmem>>, vector<16xf32>,
      %get3A_385 = arith.constant 22 : i32
      %get3A_386 = arith.index_cast %get3A_385 : i32 to index
      %get3A_387 = arith.index_cast %mul3A_22 : i32 to index
      %get3A_388 = tpu.vector_load %arg14[%get3A_386, %get3A_387] {strides = array<i32>} : memref<32x512xf32, #tpu.memory_space<vmem>>, vector<16xf32>,
      %mul3A_389 = arith.mulf %get3A_380, %get3A_384 : vector<16xf32>
      %add3A_390 = arith.addf %add3A_374, %mul3A_389 : vector<16xf32>
      %mul3A_391 = arith.mulf %get3A_380, %get3A_388 : vector<16xf32>
      %add3A_392 = arith.addf %add3A_376, %mul3A_391 : vector<16xf32>
      %get3A_393 = arith.constant 23 : i32
      %get3A_394 = arith.index_cast %get3A_393 : i32 to index
      %get3A_395 = arith.index_cast %mul3A_22 : i32 to index
      %get3A_396 = tpu.vector_load %arg12[%get3A_394, %get3A_395] {strides = array<i32>} : memref<32x512xf32, #tpu.memory_space<vmem>>, vector<16xf32>,
      %get3A_397 = arith.constant 23 : i32
      %get3A_398 = arith.index_cast %get3A_397 : i32 to index
      %get3A_399 = arith.index_cast %mul3A_22 : i32 to index
      %get3A_400 = tpu.vector_load %arg13[%get3A_398, %get3A_399] {strides = array<i32>} : memref<32x512xf32, #tpu.memory_space<vmem>>, vector<16xf32>,
      %get3A_401 = arith.constant 23 : i32
      %get3A_402 = arith.index_cast %get3A_401 : i32 to index
      %get3A_403 = arith.index_cast %mul3A_22 : i32 to index
      %get3A_404 = tpu.vector_load %arg14[%get3A_402, %get3A_403] {strides = array<i32>} : memref<32x512xf32, #tpu.memory_space<vmem>>, vector<16xf32>,
      %mul3A_405 = arith.mulf %get3A_396, %get3A_400 : vector<16xf32>
      %add3A_406 = arith.addf %add3A_390, %mul3A_405 : vector<16xf32>
      %mul3A_407 = arith.mulf %get3A_396, %get3A_404 : vector<16xf32>
      %add3A_408 = arith.addf %add3A_392, %mul3A_407 : vector<16xf32>
      %get3A_409 = arith.constant 24 : i32
      %get3A_410 = arith.index_cast %get3A_409 : i32 to index
      %get3A_411 = arith.index_cast %mul3A_22 : i32 to index
      %get3A_412 = tpu.vector_load %arg12[%get3A_410, %get3A_411] {strides = array<i32>} : memref<32x512xf32, #tpu.memory_space<vmem>>, vector<16xf32>,
      %get3A_413 = arith.constant 24 : i32
      %get3A_414 = arith.index_cast %get3A_413 : i32 to index
      %get3A_415 = arith.index_cast %mul3A_22 : i32 to index
      %get3A_416 = tpu.vector_load %arg13[%get3A_414, %get3A_415] {strides = array<i32>} : memref<32x512xf32, #tpu.memory_space<vmem>>, vector<16xf32>,
      %get3A_417 = arith.constant 24 : i32
      %get3A_418 = arith.index_cast %get3A_417 : i32 to index
      %get3A_419 = arith.index_cast %mul3A_22 : i32 to index
      %get3A_420 = tpu.vector_load %arg14[%get3A_418, %get3A_419] {strides = array<i32>} : memref<32x512xf32, #tpu.memory_space<vmem>>, vector<16xf32>,
      %mul3A_421 = arith.mulf %get3A_412, %get3A_416 : vector<16xf32>
      %add3A_422 = arith.addf %add3A_406, %mul3A_421 : vector<16xf32>
      %mul3A_423 = arith.mulf %get3A_412, %get3A_420 : vector<16xf32>
      %add3A_424 = arith.addf %add3A_408, %mul3A_423 : vector<16xf32>
      %get3A_425 = arith.constant 25 : i32
      %get3A_426 = arith.index_cast %get3A_425 : i32 to index
      %get3A_427 = arith.index_cast %mul3A_22 : i32 to index
      %get3A_428 = tpu.vector_load %arg12[%get3A_426, %get3A_427] {strides = array<i32>} : memref<32x512xf32, #tpu.memory_space<vmem>>, vector<16xf32>,
      %get3A_429 = arith.constant 25 : i32
      %get3A_430 = arith.index_cast %get3A_429 : i32 to index
      %get3A_431 = arith.index_cast %mul3A_22 : i32 to index
      %get3A_432 = tpu.vector_load %arg13[%get3A_430, %get3A_431] {strides = array<i32>} : memref<32x512xf32, #tpu.memory_space<vmem>>, vector<16xf32>,
      %get3A_433 = arith.constant 25 : i32
      %get3A_434 = arith.index_cast %get3A_433 : i32 to index
      %get3A_435 = arith.index_cast %mul3A_22 : i32 to index
      %get3A_436 = tpu.vector_load %arg14[%get3A_434, %get3A_435] {strides = array<i32>} : memref<32x512xf32, #tpu.memory_space<vmem>>, vector<16xf32>,
      %mul3A_437 = arith.mulf %get3A_428, %get3A_432 : vector<16xf32>
      %add3A_438 = arith.addf %add3A_422, %mul3A_437 : vector<16xf32>
      %mul3A_439 = arith.mulf %get3A_428, %get3A_436 : vector<16xf32>
      %add3A_440 = arith.addf %add3A_424, %mul3A_439 : vector<16xf32>
      %get3A_441 = arith.constant 26 : i32
      %get3A_442 = arith.index_cast %get3A_441 : i32 to index
      %get3A_443 = arith.index_cast %mul3A_22 : i32 to index
      %get3A_444 = tpu.vector_load %arg12[%get3A_442, %get3A_443] {strides = array<i32>} : memref<32x512xf32, #tpu.memory_space<vmem>>, vector<16xf32>,
      %get3A_445 = arith.constant 26 : i32
      %get3A_446 = arith.index_cast %get3A_445 : i32 to index
      %get3A_447 = arith.index_cast %mul3A_22 : i32 to index
      %get3A_448 = tpu.vector_load %arg13[%get3A_446, %get3A_447] {strides = array<i32>} : memref<32x512xf32, #tpu.memory_space<vmem>>, vector<16xf32>,
      %get3A_449 = arith.constant 26 : i32
      %get3A_450 = arith.index_cast %get3A_449 : i32 to index
      %get3A_451 = arith.index_cast %mul3A_22 : i32 to index
      %get3A_452 = tpu.vector_load %arg14[%get3A_450, %get3A_451] {strides = array<i32>} : memref<32x512xf32, #tpu.memory_space<vmem>>, vector<16xf32>,
      %mul3A_453 = arith.mulf %get3A_444, %get3A_448 : vector<16xf32>
      %add3A_454 = arith.addf %add3A_438, %mul3A_453 : vector<16xf32>
      %mul3A_455 = arith.mulf %get3A_444, %get3A_452 : vector<16xf32>
      %add3A_456 = arith.addf %add3A_440, %mul3A_455 : vector<16xf32>
      %get3A_457 = arith.constant 27 : i32
      %get3A_458 = arith.index_cast %get3A_457 : i32 to index
      %get3A_459 = arith.index_cast %mul3A_22 : i32 to index
      %get3A_460 = tpu.vector_load %arg12[%get3A_458, %get3A_459] {strides = array<i32>} : memref<32x512xf32, #tpu.memory_space<vmem>>, vector<16xf32>,
      %get3A_461 = arith.constant 27 : i32
      %get3A_462 = arith.index_cast %get3A_461 : i32 to index
      %get3A_463 = arith.index_cast %mul3A_22 : i32 to index
      %get3A_464 = tpu.vector_load %arg13[%get3A_462, %get3A_463] {strides = array<i32>} : memref<32x512xf32, #tpu.memory_space<vmem>>, vector<16xf32>,
      %get3A_465 = arith.constant 27 : i32
      %get3A_466 = arith.index_cast %get3A_465 : i32 to index
      %get3A_467 = arith.index_cast %mul3A_22 : i32 to index
      %get3A_468 = tpu.vector_load %arg14[%get3A_466, %get3A_467] {strides = array<i32>} : memref<32x512xf32, #tpu.memory_space<vmem>>, vector<16xf32>,
      %mul3A_469 = arith.mulf %get3A_460, %get3A_464 : vector<16xf32>
      %add3A_470 = arith.addf %add3A_454, %mul3A_469 : vector<16xf32>
      %mul3A_471 = arith.mulf %get3A_460, %get3A_468 : vector<16xf32>
      %add3A_472 = arith.addf %add3A_456, %mul3A_471 : vector<16xf32>
      %get3A_473 = arith.constant 28 : i32
      %get3A_474 = arith.index_cast %get3A_473 : i32 to index
      %get3A_475 = arith.index_cast %mul3A_22 : i32 to index
      %get3A_476 = tpu.vector_load %arg12[%get3A_474, %get3A_475] {strides = array<i32>} : memref<32x512xf32, #tpu.memory_space<vmem>>, vector<16xf32>,
      %get3A_477 = arith.constant 28 : i32
      %get3A_478 = arith.index_cast %get3A_477 : i32 to index
      %get3A_479 = arith.index_cast %mul3A_22 : i32 to index
      %get3A_480 = tpu.vector_load %arg13[%get3A_478, %get3A_479] {strides = array<i32>} : memref<32x512xf32, #tpu.memory_space<vmem>>, vector<16xf32>,
      %get3A_481 = arith.constant 28 : i32
      %get3A_482 = arith.index_cast %get3A_481 : i32 to index
      %get3A_483 = arith.index_cast %mul3A_22 : i32 to index
      %get3A_484 = tpu.vector_load %arg14[%get3A_482, %get3A_483] {strides = array<i32>} : memref<32x512xf32, #tpu.memory_space<vmem>>, vector<16xf32>,
      %mul3A_485 = arith.mulf %get3A_476, %get3A_480 : vector<16xf32>
      %add3A_486 = arith.addf %add3A_470, %mul3A_485 : vector<16xf32>
      %mul3A_487 = arith.mulf %get3A_476, %get3A_484 : vector<16xf32>
      %add3A_488 = arith.addf %add3A_472, %mul3A_487 : vector<16xf32>
      %get3A_489 = arith.constant 29 : i32
      %get3A_490 = arith.index_cast %get3A_489 : i32 to index
      %get3A_491 = arith.index_cast %mul3A_22 : i32 to index
      %get3A_492 = tpu.vector_load %arg12[%get3A_490, %get3A_491] {strides = array<i32>} : memref<32x512xf32, #tpu.memory_space<vmem>>, vector<16xf32>,
      %get3A_493 = arith.constant 29 : i32
      %get3A_494 = arith.index_cast %get3A_493 : i32 to index
      %get3A_495 = arith.index_cast %mul3A_22 : i32 to index
      %get3A_496 = tpu.vector_load %arg13[%get3A_494, %get3A_495] {strides = array<i32>} : memref<32x512xf32, #tpu.memory_space<vmem>>, vector<16xf32>,
      %get3A_497 = arith.constant 29 : i32
      %get3A_498 = arith.index_cast %get3A_497 : i32 to index
      %get3A_499 = arith.index_cast %mul3A_22 : i32 to index
      %get3A_500 = tpu.vector_load %arg14[%get3A_498, %get3A_499] {strides = array<i32>} : memref<32x512xf32, #tpu.memory_space<vmem>>, vector<16xf32>,
      %mul3A_501 = arith.mulf %get3A_492, %get3A_496 : vector<16xf32>
      %add3A_502 = arith.addf %add3A_486, %mul3A_501 : vector<16xf32>
      %mul3A_503 = arith.mulf %get3A_492, %get3A_500 : vector<16xf32>
      %add3A_504 = arith.addf %add3A_488, %mul3A_503 : vector<16xf32>
      %get3A_505 = arith.constant 30 : i32
      %get3A_506 = arith.index_cast %get3A_505 : i32 to index
      %get3A_507 = arith.index_cast %mul3A_22 : i32 to index
      %get3A_508 = tpu.vector_load %arg12[%get3A_506, %get3A_507] {strides = array<i32>} : memref<32x512xf32, #tpu.memory_space<vmem>>, vector<16xf32>,
      %get3A_509 = arith.constant 30 : i32
      %get3A_510 = arith.index_cast %get3A_509 : i32 to index
      %get3A_511 = arith.index_cast %mul3A_22 : i32 to index
      %get3A_512 = tpu.vector_load %arg13[%get3A_510, %get3A_511] {strides = array<i32>} : memref<32x512xf32, #tpu.memory_space<vmem>>, vector<16xf32>,
      %get3A_513 = arith.constant 30 : i32
      %get3A_514 = arith.index_cast %get3A_513 : i32 to index
      %get3A_515 = arith.index_cast %mul3A_22 : i32 to index
      %get3A_516 = tpu.vector_load %arg14[%get3A_514, %get3A_515] {strides = array<i32>} : memref<32x512xf32, #tpu.memory_space<vmem>>, vector<16xf32>,
      %mul3A_517 = arith.mulf %get3A_508, %get3A_512 : vector<16xf32>
      %add3A_518 = arith.addf %add3A_502, %mul3A_517 : vector<16xf32>
      %mul3A_519 = arith.mulf %get3A_508, %get3A_516 : vector<16xf32>
      %add3A_520 = arith.addf %add3A_504, %mul3A_519 : vector<16xf32>
      %get3A_521 = arith.constant 31 : i32
      %get3A_522 = arith.index_cast %get3A_521 : i32 to index
      %get3A_523 = arith.index_cast %mul3A_22 : i32 to index
      %get3A_524 = tpu.vector_load %arg12[%get3A_522, %get3A_523] {strides = array<i32>} : memref<32x512xf32, #tpu.memory_space<vmem>>, vector<16xf32>,
      %get3A_525 = arith.constant 31 : i32
      %get3A_526 = arith.index_cast %get3A_525 : i32 to index
      %get3A_527 = arith.index_cast %mul3A_22 : i32 to index
      %get3A_528 = tpu.vector_load %arg13[%get3A_526, %get3A_527] {strides = array<i32>} : memref<32x512xf32, #tpu.memory_space<vmem>>, vector<16xf32>,
      %get3A_529 = arith.constant 31 : i32
      %get3A_530 = arith.index_cast %get3A_529 : i32 to index
      %get3A_531 = arith.index_cast %mul3A_22 : i32 to index
      %get3A_532 = tpu.vector_load %arg14[%get3A_530, %get3A_531] {strides = array<i32>} : memref<32x512xf32, #tpu.memory_space<vmem>>, vector<16xf32>,
      %mul3A_533 = arith.mulf %get3A_524, %get3A_528 : vector<16xf32>
      %add3A_534 = arith.addf %add3A_518, %mul3A_533 : vector<16xf32>
      %mul3A_535 = arith.mulf %get3A_524, %get3A_532 : vector<16xf32>
      %add3A_536 = arith.addf %add3A_520, %mul3A_535 : vector<16xf32>
      %swap3A = arith.index_cast %mul3A_22 : i32 to index
      %swap3A_537 = tpu.vector_load %arg15[%swap3A] {strides = array<i32>} : memref<512xf32, #tpu.memory_space<vmem>>, vector<16xf32>,
      tpu.vector_store %arg15[%swap3A], %add3A_534 {strides = array<i32>} : memref<512xf32, #tpu.memory_space<vmem>>, vector<16xf32>,
      %swap3A_538 = arith.index_cast %mul3A_22 : i32 to index
      %swap3A_539 = tpu.vector_load %arg16[%swap3A_538] {strides = array<i32>} : memref<512xf32, #tpu.memory_space<vmem>>, vector<16xf32>,
      tpu.vector_store %arg16[%swap3A_538], %add3A_536 {strides = array<i32>} : memref<512xf32, #tpu.memory_space<vmem>>, vector<16xf32>,
    }
    %scan3A_19 = arith.constant 32 : i32
    "tpu.region"() ({
      %run_scoped3A = tpu.sem_alloc : memref<!tpu.dma_semaphore, #tpu.memory_space<semaphore_mem>>
      %dma_start3A = tpu.memref_slice %arg7[%mul3A_2] : memref<16384xf32, #tpu.memory_space<hbm>> -> memref<512xf32, #tpu.memory_space<hbm>>
      %dma_start3A_20 = tpu.memref_slice %arg7[%mul3A_2] : memref<16384xf32, #tpu.memory_space<hbm>> -> memref<512xf32, #tpu.memory_space<hbm>>
      tpu.enqueue_dma source(%arg15 : memref<512xf32, #tpu.memory_space<vmem>>) target(%dma_start3A_20 : memref<512xf32, #tpu.memory_space<hbm>>) target_semaphore(%run_scoped3A : memref<!tpu.dma_semaphore, #tpu.memory_space<semaphore_mem>>)
      %dma_wait3A = tpu.memref_slice %arg7[%mul3A_2] : memref<16384xf32, #tpu.memory_space<hbm>> -> memref<512xf32, #tpu.memory_space<hbm>>
      %dma_wait3A_21 = tpu.memref_slice %arg7[%mul3A_2] : memref<16384xf32, #tpu.memory_space<hbm>> -> memref<512xf32, #tpu.memory_space<hbm>>
      tpu.wait_dma2 semaphore(%run_scoped3A : memref<!tpu.dma_semaphore, #tpu.memory_space<semaphore_mem>>) src(%arg15 : memref<512xf32, #tpu.memory_space<vmem>>) dst(%dma_wait3A_21 : memref<512xf32, #tpu.memory_space<hbm>>)
      tpu.yield
    }) : () -> ()
    "tpu.region"() ({
      %run_scoped3A = tpu.sem_alloc : memref<!tpu.dma_semaphore, #tpu.memory_space<semaphore_mem>>
      %dma_start3A = tpu.memref_slice %arg8[%mul3A_2] : memref<16384xf32, #tpu.memory_space<hbm>> -> memref<512xf32, #tpu.memory_space<hbm>>
      %dma_start3A_20 = tpu.memref_slice %arg8[%mul3A_2] : memref<16384xf32, #tpu.memory_space<hbm>> -> memref<512xf32, #tpu.memory_space<hbm>>
      tpu.enqueue_dma source(%arg16 : memref<512xf32, #tpu.memory_space<vmem>>) target(%dma_start3A_20 : memref<512xf32, #tpu.memory_space<hbm>>) target_semaphore(%run_scoped3A : memref<!tpu.dma_semaphore, #tpu.memory_space<semaphore_mem>>)
      %dma_wait3A = tpu.memref_slice %arg8[%mul3A_2] : memref<16384xf32, #tpu.memory_space<hbm>> -> memref<512xf32, #tpu.memory_space<hbm>>
      %dma_wait3A_21 = tpu.memref_slice %arg8[%mul3A_2] : memref<16384xf32, #tpu.memory_space<hbm>> -> memref<512xf32, #tpu.memory_space<hbm>>
      tpu.wait_dma2 semaphore(%run_scoped3A : memref<!tpu.dma_semaphore, #tpu.memory_space<semaphore_mem>>) src(%arg16 : memref<512xf32, #tpu.memory_space<vmem>>) dst(%dma_wait3A_21 : memref<512xf32, #tpu.memory_space<hbm>>)
      tpu.yield
    }) : () -> ()
    return
  }
}

module attributes {stable_mosaic.version = 14 : i64} {
  func.func @_untile_body(%arg0: i32, %arg1: memref<32x8192xf32, #tpu.memory_space<vmem>>, %arg2: memref<32x64x128xf32, #tpu.memory_space<vmem>>) attributes {dimension_semantics = [#tpu.dimension_semantics<arbitrary>], iteration_bounds = array<i64: 123>, scalar_prefetch = 0 : i64, scratch_operands = 0 : i64, tpu.core_type = #tpu.core_type<tc>, window_params = [{transform_indices = @transform_0, window_bounds = array<i64: 32, 8192>}, {transform_indices = @transform_1, window_bounds = array<i64: 32, 64, 128>}]} {
    %get3A = arith.constant 0 : index
    %get3A_0 = arith.constant 0 : index
    %get3A_1 = vector.load %arg1[%get3A, %get3A_0] : memref<32x8192xf32, #tpu.memory_space<vmem>>, vector<32x8192xf32>
    %reshape3A = vector.shape_cast %get3A_1 : vector<32x8192xf32> to vector<32x64x128xf32>
    %swap3A = arith.constant 0 : index
    %swap3A_2 = arith.constant 0 : index
    %swap3A_3 = arith.constant 0 : index
    %swap3A_4 = vector.load %arg2[%swap3A, %swap3A_2, %swap3A_3] : memref<32x64x128xf32, #tpu.memory_space<vmem>>, vector<32x64x128xf32>
    tpu.vector_store %arg2[%swap3A, %swap3A_2, %swap3A_3], %reshape3A {strides = array<i32>} : memref<32x64x128xf32, #tpu.memory_space<vmem>>, vector<32x64x128xf32>,
    return
  }
  func.func @transform_0(%arg0: i32) -> (i32, i32) {
    %c0_i32 = arith.constant 0 : i32
    %c0_i32_0 = arith.constant 0 : i32
    return %c0_i32, %arg0 : i32, i32
  }
  func.func @transform_1(%arg0: i32) -> (i32, i32, i32) {
    %c0_i32 = arith.constant 0 : i32
    %c0_i32_0 = arith.constant 0 : i32
    %c0_i32_1 = arith.constant 0 : i32
    return %c0_i32, %arg0, %c0_i32_0 : i32, i32, i32
  }
}

</mosaic_0001>

<sc_bundles>
// kernel: kernel.5.cloned.1.call-start
scs
__scs_entry_jumppad:
0x0: {  	(pc) =	sbr.rel $0x88, $3  }
0x1: {  	(tag) =	ssettag $0x0;
	lr =	simm.s32 $0x1  }
0x2: {  	[smem:$0x3F9C] =	sst lr;
	_ =	strace $0xD0000000  }
0x3: {  	_ = 	snop  }
0x4: {  	_ = 	snop  }
0x5: {  	_ = 	snop  }
0x6: {  	_ = 	snop  }
0x7: {  	_ = 	snop  }
__scs_overlays_trampoline_lowered:
0x8: {  	[smem:$0x3FAB] =	sst s0  }
0x9: {  	[smem:$0x3FAC] =	sst s1  }
0xa: {  	[smem:$0x3FAD] =	sst s2  }
0xb: {  	[smem:$0x3FAE] =	sst s3  }
0xc: {  	[smem:$0x3FAF] =	sst s4  }
0xd: {  	[smem:$0x3FB0] =	sst s5  }
0xe: {  	[smem:$0x3FB1] =	sst s6  }
0xf: {  	[smem:$0x3FB2] =	sst s7  }
0x10: {  	[smem:$0x3FB3] =	sst s8  }
0x11: {  	[smem:$0x3FB4] =	sst s9;
	s0 =	simm.s32 @!p0 $0x0  }
0x12: {  	s1 =	sld [smem:$0x3F9A];
	s0 =	simm.s32 @p0 $0x1  }
0x13: {  	[smem:$0x3FB5] =	sst s0;
	s0 =	simm.s32 @!p1 $0x0  }
0x14: {  	s2 =	sld [smem:$0x3F99];
	s0 =	simm.s32 @p1 $0x1  }
0x15: {  	[smem:$0x3FB6] =	sst s0;
	s0 =	simm.s32 @!p2 $0x0  }
0x16: {  	s3 =	sld [smem:$0x3FDB];
	s0 =	simm.s32 @p2 $0x1  }
0x17: {  	s4 =	simm.s32 $0x1BF5;
	[smem:$0x3FB8] =	sst s0  }
0x18: {  	s0 =	sld [smem:$0x3F9B];
	_ =	swait.ge [sflag:s4], $0x0  }
0x19: {  	s7 =	sld [smem:$0x3F9C]  }
0x1a: {  	s8 =	sadd.s32 $0xFFFFE003, lr  }
0x1b: {  	s9 =	sadd.s32 $0xFFFFFEF7, lr;
	s5 =	simm.s32 $0xFFFFFFFF;
	p2 =	slt.u32 s8, $0xFFFFF086  }
0x1c: {  	p1 =	slt.u32 s9, $0xF7A;
	s5 =	simm.s32 @!p2 $0x0  }
0x1d: {  	s5 =	simm.s32 @p1 $0x1;
	p0 =	seq.s32 s7, s2  }
0x1e: {  	s7 =	smul.u32 @!p0 $0xF7A, s2;
	p2 =	seq.s32 @!p0 s5, $0x0  }
0x1f: {  	s9 =	smul.u32 $0xF7A, s1;
	s8 =	simm.s32 @!p0 $0x1BF5;
	p2 =	por !p2, p0  }
0x20: {  	[sflag:s8] =	ssyncset.s32 @!p0 $0xFFFFF086;
	s6 =	sadd.s32 @!p0 s3, s7;
	s7 =	simm.s32 @!p0 $0x108  }
0x21: {  	s3 =	sadd.s32 s3, s9;
	s6 =	sadd.s32 @!p0 $0x88, s6;
	s7 =	simm.s32 @p2 $0x1082  }
0x22: {  	[simem:s7], [sflag:s8] =	dma.local @!p0 [hbm:s6], $0xF7A  }
0x23: {  	s9 =	sor.u32 $0xD0000000, s2;
	s6 =	simm.s32 $0x108;
	_ =	swait.ge @!p0 [sflag:s8], $0x0  }
0x24: {  	s3 =	sadd.s32 $0x88, s3;
	s6 =	simm.s32 @!p1 $0x1082;
	[sflag:s4] =	ssyncset.s32 $0xFFFFF086  }
0x25: {  	[simem:s6], [sflag:s4] =	dma.local [hbm:s3], $0xF7A  }
0x26: {  	[smem:$0x3F9C] =	sst s1;
	(tag) =	ssettag s2;
	_ =	strace s9  }
0x27: {  	s1 =	sld [smem:$0x3FAC]  }
0x28: {  	s2 =	sld [smem:$0x3FAD]  }
0x29: {  	s4 =	sld [smem:$0x3FAF]  }
0x2a: {  	p0 =	seq.s32 s5, $0x0;
	s5 =	sld [smem:$0x3FB0]  }
0x2b: {  	s6 =	sld [smem:$0x3FB1]  }
0x2c: {  	s7 =	sld [smem:$0x3FB2]  }
0x2d: {  	s3 =	simm.s32 $0x108;
	s8 =	sld [smem:$0x3FB3]  }
0x2e: {  	s3 =	simm.s32 @!p0 $0x1082;
	s9 =	sld [smem:$0x3FB4]  }
0x2f: {  	lr =	sadd.s32 s0, s3;
	s0 =	sld [smem:$0x3FAB]  }
0x30: {  	s3 =	sld [smem:$0x3FAE]  }
0x31: {  	[smem:$0x3FB7] =	sst s10  }
0x32: {  	s10 =	sld [smem:$0x3FB5];
	_ =	sdelay $0x3  }
0x33: {  	p0 =	seq.s32 s10, $0x1;
	s10 =	sld [smem:$0x3FB7];
	_ =	sdelay $0x3  }
0x34: {  	[smem:$0x3FB7] =	sst s10  }
0x35: {  	s10 =	sld [smem:$0x3FB6];
	_ =	sdelay $0x3  }
0x36: {  	p1 =	seq.s32 s10, $0x1;
	s10 =	sld [smem:$0x3FB7];
	_ =	sdelay $0x3  }
0x37: {  	[smem:$0x3FB7] =	sst s10  }
0x38: {  	s10 =	sld [smem:$0x3FB8]  }
0x39: {  	_ = 	snop;
	(pc) =	sbr.ind lr, $3  }
0x3a: {  	_ = 	snop  }
0x3b: {  	_ = 	snop  }
0x3c: {  	p2 =	seq.s32 s10, $0x1;
	s10 =	sld [smem:$0x3FB7]  }
0x3d: {  	_ =	shalt  }
0x3e: {  	_ =	shalt  }
0x3f: {  	_ =	shalt  }
0x40: {  	_ =	shalt  }
0x41: {  	_ =	shalt  }
0x42: {  	_ =	shalt  }
0x43: {  	_ =	shalt  }
0x44: {  	_ =	shalt  }
0x45: {  	_ =	shalt  }
0x46: {  	_ =	shalt  }
0x47: {  	_ =	shalt  }
0x48: {  	_ =	shalt  }
0x49: {  	_ =	shalt  }
0x4a: {  	_ =	shalt  }
0x4b: {  	_ =	shalt  }
0x4c: {  	_ =	shalt  }
0x4d: {  	_ =	shalt  }
0x4e: {  	_ =	shalt  }
0x4f: {  	_ =	shalt  }
0x50: {  	_ =	shalt  }
0x51: {  	_ =	shalt  }
0x52: {  	_ =	shalt  }
0x53: {  	_ =	shalt  }
0x54: {  	_ =	shalt  }
0x55: {  	_ =	shalt  }
0x56: {  	_ =	shalt  }
0x57: {  	_ =	shalt  }
0x58: {  	_ =	shalt  }
0x59: {  	_ =	shalt  }
0x5a: {  	_ =	shalt  }
0x5b: {  	_ =	shalt  }
0x5c: {  	_ =	shalt  }
0x5d: {  	_ =	shalt  }
0x5e: {  	_ =	shalt  }
0x5f: {  	_ =	shalt  }
0x60: {  	_ =	shalt  }
0x61: {  	_ =	shalt  }
0x62: {  	_ =	shalt  }
0x63: {  	_ =	shalt  }
0x64: {  	_ =	shalt  }
0x65: {  	_ =	shalt  }
0x66: {  	_ =	shalt  }
0x67: {  	_ =	shalt  }
0x68: {  	_ =	shalt  }
0x69: {  	_ =	shalt  }
0x6a: {  	_ =	shalt  }
0x6b: {  	_ =	shalt  }
0x6c: {  	_ =	shalt  }
0x6d: {  	_ =	shalt  }
0x6e: {  	_ =	shalt  }
0x6f: {  	_ =	shalt  }
0x70: {  	_ =	shalt  }
0x71: {  	_ =	shalt  }
0x72: {  	_ =	shalt  }
0x73: {  	_ =	shalt  }
0x74: {  	_ =	shalt  }
0x75: {  	_ =	shalt  }
0x76: {  	_ =	shalt  }
0x77: {  	_ =	shalt  }
0x78: {  	_ =	shalt  }
0x79: {  	_ =	shalt  }
0x7a: {  	_ =	shalt  }
0x7b: {  	_ =	shalt  }
0x7c: {  	_ =	shalt  }
0x7d: {  	_ =	shalt  }
0x7e: {  	_ =	shalt  }
0x7f: {  	_ =	shalt  }
0x80: {  	_ =	shalt  }
0x81: {  	_ =	shalt  }
0x82: {  	_ =	shalt  }
0x83: {  	_ =	shalt  }
0x84: {  	_ =	shalt  }
0x85: {  	_ =	shalt  }
0x86: {  	_ =	shalt  }
0x87: {  	_ =	shalt  }
.Lfunc_end0:
.L_simem_size_0:
called_computation_lowered:
.L_overlay_start_0:
0x88: {  	s2 =	sld [smem:$0x3FD9]  }
0x89: {  	s3 =	sld [smem:$0x3FFE];
	_ =	sdelay $0x1  }
0x8a: {  	s1 =	srdreg.scid  }
0x8b: {  	s0 =	sand.u32 $0x1, s1  }
0x8c: {  	s14 =	sshll.u32 s0, $0xA;
	s2 =	sadd.s32 s3, s2  }
0x8d: {  	s2 =	sadd.s32 s2, s14  }
0x8e: {  	[smem:$0x3FC3] =	sst s2  }
0x8f: {  	_ = 	snop  }
0x90: {  	s2 =	sld [smem:$0x3FD0]  }
0x91: {  	s15 =	sld [smem:$0x3FC7]  }
0x92: {  	s4 =	sld [smem:$0x3FC6]  }
0x93: {  	s6 =	simm.s32 $0xA;
	s7 =	simm.s32 $0x10;
	s5 =	sld [smem:$0x3FC5]  }
0x94: {  	[smem:s7], [sflag:s6] =	dma.local [hbm:s2], $0x1  }
0x95: {  	_ =	swait.eq [sflag:s6], $0x1  }
0x96: {  	[sflag:s6] =	ssyncset.done $0x0  }
0x97: {  	s16 =	sld [smem:$0x10];
	[sflag:s6] =	ssyncadd.s32 $0xFFFFFFFF  }
0x98: {  	s17 =	sld [smem:$0x11];
	(tm) =	ssettm $0x1  }
0x99: {  	s18 =	sld [smem:$0x3FFB];
	_ =	sdelay $0x3  }
0x9a: {  	_ =	strace s18  }
0x9b: {  	s7 =	sld [smem:$0x3FFC];
	_ =	sdelay $0x3  }
0x9c: {  	_ =	strace s7  }
0x9d: {  	s7 =	sld [smem:$0x3FFD];
	_ =	sdelay $0x3  }
0x9e: {  	_ =	strace s7  }
0x9f: {  	_ =	strace $0x8FFFFFFF  }
0xa0: {  	s19 =	sld [smem:$0x3FDB];
	_ =	sdelay $0x1  }
0xa1: {  	s8 =	simm.s32 $_scs_section_size  }
0xa2: {  	s9 =	simm.s32 $_size__tile_overlayer_lowered;
	s10 =	simm.s32 $_tile_overlayer_lowered  }
0xa3: {  	s22 =	simm.s32 $0x1BFF;
	s21 =	sshll.u32 s10, $0x1;
	s7 =	sadd.s32 s8, s19  }
0xa4: {  	s11 =	simm.s32 $0x0;
	s20 =	sshll.u32 s9, $0x1;
	s9 =	sadd.s32 s21, s7  }
0xa5: {  	[timem:s11], [sflag:s22] =	dma.local [hbm:s9], s20  }
0xa6: {  	_ =	swait.ge [sflag:s22], s20  }
0xa7: {  	s8 =	ssub.s32 $0x0, s20;
	[sflag:s22] =	ssyncset.done $0x0  }
0xa8: {  	[sflag:s22] =	ssyncadd.s32 s8;
	_ =	sdelay $0x1  }
0xa9: {  	s23 =	simm.s32 $0x1B8B  }
0xaa: {  	_ =	swait.ge [sflag:s23], $0x1  }
0xab: {  	[sflag:s23] =	ssyncset.done $0x0  }
0xac: {  	s25 =	simm.s32 $0x1B8E;
	s24 =	sld [smem:$0x3FFE];
	[sflag:s23] =	ssyncadd.s32 $0xFFFFFFFF  }
0xad: {  	s26 =	simm.s32 $execute0_lowered;
	[smem:$0x3FD2] =	sst s25  }
0xae: {  	s9 =	sshll.u32 s26, $0x1;
	_ =	strace $0x80000046;
	[dreg:$0x1] =	wrdreg $0xFFFFFFFF  }
0xaf: {  	s28 =	simm.s32 $_size_execute0_lowered;
	s7 =	sadd.s32 s7, s9;
	[dreg:$0x0] =	wrdreg $0x0  }
0xb0: {  	s9 =	sshll.u32 s28, $0x1;
	[dreg:$0x2] =	wrdreg s7  }
0xb1: {  	[dreg:$0x3] =	wrdreg s9  }
0xb2: {  	[dreg:$0x4] =	wrdreg $0xC0  }
0xb3: {  	_ =	task [dreg:s11], $0x5FFFF  }
0xb4: {  	[dreg:$0x1] =	wrdreg $0xFFFFFFFF  }
0xb5: {  	[dreg:$0x0] =	wrdreg $0x60  }
0xb6: {  	[dreg:$0x2] =	wrdreg s24  }
0xb7: {  	[dreg:$0x3] =	wrdreg s15  }
0xb8: {  	[dreg:$0x4] =	wrdreg s4  }
0xb9: {  	[dreg:$0x5] =	wrdreg s5  }
0xba: {  	[dreg:$0x6] =	wrdreg s16  }
0xbb: {  	[dreg:$0x7] =	wrdreg s17  }
0xbc: {  	[dreg:$0x8] =	wrdreg $0x9  }
0xbd: {  	_ =	task.clear_ibuf [dreg:s11], $0x9FFFF;
	_ =	strace $0x90000046  }
0xbe: {  	s29 =	simm.s32 $0x9;
	_ =	strace $0x80000048  }
0xbf: {  	_ =	swait.ge [sflag:s29], $0x1  }
0xc0: {  	[sflag:s29] =	ssyncadd.s32 $0xFFFFFFFF  }
0xc1: {  	_ =	strace $0x90000048  }
0xc2: {  	_ =	sfence  }
0xc3: {  	s30 =	sld [smem:$0x0];
	_ =	sdelay $0x2  }
0xc4: {  	s31 =	sshll.u32 s1, $0xD;
	s1 =	sshrl.u32 s1, $0x2  }
0xc5: {  	s3 =	sand.u32 $0x4000, s31;
	s1 =	sadd.s32 s1, s30  }
0xc6: {  	s0 =	sor.u32 s3, s0;
	s1 =	sshll.u32 s1, $0x11  }
0xc7: {  	s0 =	sor.u32 s1, s0  }
0xc8: {  	s0 =	sadd.s32 $0x8F2B, s0  }
0xc9: {  	[sflag:s0] =	ssyncadd.remote.s32 $0x1  }
0xca: {  	_ =	sfence.sel $0xFFFF  }
0xcb: {  	[dreg:$0x0] =	wrdreg $0xFFFFFFFF;
	(pc) =	sbr.abs _section_cstart, $3  }
0xcc: {  	[dreg:$0x1] =	wrdreg $0xFFFFFFFF  }
0xcd: {  	_ =	task.clear_ibuf [dreg:s11], $0x2FFFF;
	_ =	strace $0x9FFFFFFF  }
0xce: {  	(tm) =	ssettm $0x7FFFFFFF  }
0xcf: {  	_ =	shalt  }
tec
execute0_lowered:
.L_overlay_start_1:
0x0: {  	(tag) =	ssettag $0x1  }
0x1: {  	s0 =	rddreg [dreg:$0x0]  }
0x2: {  	s1 =	rddreg [dreg:$0x1]  }
0x3: {  	s6 =	rddreg [dreg:$0x2]  }
0x4: {  	s7 =	rddreg [dreg:$0x3]  }
0x5: {  	s8 =	rddreg [dreg:$0x4]  }
0x6: {  	s9 =	rddreg [dreg:$0x5];
	s2 =	simm.s32 $0x0  }
0x7: {  	s3 =	srdreg.scid;
	s4 =	stileid.u32;
	s12 =	simm.s32 $0x200  }
0x8: {  	s13 =	simm.s32 $0x400;
	s14 =	simm.s32 $0x80;
	s15 =	simm.s32 $0x100  }
0x9: {  	s16 =	simm.s32 $0x180;
	s17 =	simm.s32 $0x280;
	s18 =	simm.s32 $0x300  }
0xa: {  	s19 =	simm.s32 $0x380;
	s20 =	simm.s32 $0x480;
	s21 =	simm.s32 $0x500  }
0xb: {  	s22 =	simm.s32 $0x580;
	s23 =	simm.s32 $0x1;
	s26 =	simm.s32 $0x0  }
0xc: {  	[smem:$0x7FF] =	sst s2;
	s3 =	sand.u32 $0x1, s3;
	s4 =	sshll.u32 s4, $0x7  }
0xd: {  	_ =	strace $0x80000047;
	s5 =	ssub.s32 $0x2, s3;
	s10 =	sshll.u32 s3, $0x6  }
0xe: {  	s3 =	sadd.s32 $0x800, s0;
	s11 =	sshrl.u32 s5, $0x1;
	s10 =	sor.u32 s10, s4  }
0xf: {  	s4 =	sadd.s32 $0x3D1800, s0;
	s31 =	ssub.s32 s5, s11;
	s5 =	sadd.s32 s1, s10  }
0x10: {  	s6 =	sadd.s32 s6, s10;
	s7 =	sadd.s32 s7, s10;
	s8 =	sadd.s32 s8, s10  }
0x11: {  	s9 =	sadd.s32 s9, s10;
	s11 =	simm.s32 $0x2;
	s10 =	smax.u32 s31, $0x1  }
.LBB2_1:
0x12: {  	[tilespmem:s2], [sflag:$0x2] =	stream.linear.gather [hbm4b:s5+s2], $0x200, $0x38;
	[tilespmem:$0xCA00] =	vst v63  }
0x13: {  	_ =	swait.ge [sflag:s11], $0x200  }
0x14: {  	[sflag:s11] =	ssyncset.done $0x0  }
0x15: {  	[sflag:s11] =	ssyncadd.s32 $0xFFFFFE00  }
0x16: {  	[tilespmem:s12], [sflag:$0x2] =	stream.linear.gather [hbm4b:s6+s2], $0x200, $0x38;
	[tilespmem:$0xCA00] =	vst v63  }
0x17: {  	_ =	swait.ge [sflag:s11], $0x200  }
0x18: {  	[sflag:s11] =	ssyncset.done $0x0  }
0x19: {  	[sflag:s11] =	ssyncadd.s32 $0xFFFFFE00  }
0x1a: {  	[tilespmem:s13], [sflag:$0x2] =	stream.linear.gather [hbm4b:s7+s2], $0x200, $0x38;
	[tilespmem:$0xCA00] =	vst v63  }
0x1b: {  	_ =	swait.ge [sflag:s11], $0x200  }
0x1c: {  	[sflag:s11] =	ssyncset.done $0x0  }
0x1d: {  	s0 =	simm.s32 $0x600;
	[sflag:s11] =	ssyncadd.s32 $0xFFFFFE00  }
0x1e: {  	[tilespmem:s0], [sflag:$0x1] =	stream.indirect.gather [hbm4b:s3+s14], $0x1, s2, s14, $0xb8;
	[tilespmem:$0xCA00] =	vst v63  }
0x1f: {  	s25 =	simm.s32 $0x680  }
0x20: {  	[tilespmem:s25], [sflag:$0x1] =	stream.indirect.gather [hbm4b:s3+s14], $0x1, s14, s14, $0xb8;
	[tilespmem:$0xCA00] =	vst v63  }
0x21: {  	s1 =	simm.s32 $0x700  }
0x22: {  	[tilespmem:s1], [sflag:$0x1] =	stream.indirect.gather [hbm4b:s3+s14], $0x1, s15, s14, $0xb8;
	[tilespmem:$0xCA00] =	vst v63  }
0x23: {  	s24 =	simm.s32 $0x780  }
0x24: {  	[tilespmem:s24], [sflag:$0x1] =	stream.indirect.gather [hbm4b:s3+s14], $0x1, s16, s14, $0xb8;
	[tilespmem:$0xCA00] =	vst v63  }
0x25: {  	s25 =	simm.s32 $0x4600  }
0x26: {  	[tilespmem:s25], [sflag:$0x1] =	stream.indirect.gather [hbm4b:s4+s14], $0x1, s12, s14, $0xb8;
	[tilespmem:$0xCA00] =	vst v63  }
0x27: {  	s1 =	simm.s32 $0x4680  }
0x28: {  	[tilespmem:s1], [sflag:$0x1] =	stream.indirect.gather [hbm4b:s4+s14], $0x1, s17, s14, $0xb8;
	[tilespmem:$0xCA00] =	vst v63  }
0x29: {  	s24 =	simm.s32 $0x4700  }
0x2a: {  	[tilespmem:s24], [sflag:$0x1] =	stream.indirect.gather [hbm4b:s4+s14], $0x1, s18, s14, $0xb8;
	[tilespmem:$0xCA00] =	vst v63  }
0x2b: {  	s25 =	simm.s32 $0x4780  }
0x2c: {  	[tilespmem:s25], [sflag:$0x1] =	stream.indirect.gather [hbm4b:s4+s14], $0x1, s19, s14, $0xb8;
	[tilespmem:$0xCA00] =	vst v63  }
0x2d: {  	s29 =	simm.s32 $0x200;
	s30 =	sadd.s32 $0x1E880, s3;
	s1 =	simm.s32 $0x8600  }
0x2e: {  	[tilespmem:s1], [sflag:$0x1] =	stream.indirect.gather [hbm4b:s4+s14], $0x1, s13, s14, $0xb8;
	[tilespmem:$0xCA00] =	vst v63  }
0x2f: {  	s28 =	sadd.s32 $0x1E880, s4;
	s31 =	smov.u32 s4;
	s24 =	simm.s32 $0x8680  }
0x30: {  	[tilespmem:s24], [sflag:$0x1] =	stream.indirect.gather [hbm4b:s4+s14], $0x1, s20, s14, $0xb8;
	[tilespmem:$0xCA00] =	vst v63  }
0x31: {  	s0 =	simm.s32 $0x1000;
	s25 =	simm.s32 $0x8700;
	s1 =	simm.s32 $0x8780  }
0x32: {  	[tilespmem:s25], [sflag:$0x1] =	stream.indirect.gather [hbm4b:s4+s14], $0x1, s21, s14, $0xb8;
	[tilespmem:$0xCA00] =	vst v63  }
.LBB2_2:
0x33: {  	[tilespmem:s1], [sflag:$0x1] =	stream.indirect.gather [hbm4b:s31+s14], $0x1, s22, s14, $0xb8;
	[tilespmem:$0xCA00] =	vst v63  }
0x34: {  	s1 =	smov.u32 s29;
	s29 =	smov.u32 s0;
	s31 =	smov.u32 s28  }
0x35: {  	s24 =	sadd.s32 $0x800, s0;
	s29 =	sshra.s32 s29, $0x2;
	s25 =	sadd.s32 $0x600, s1  }
0x36: {  	[tilespmem:s25], [sflag:$0x1] =	stream.indirect.gather [hbm4b:s30+s14], $0x1, s2, s14, $0xb8;
	[tilespmem:$0xCA00] =	vst v63  }
0x37: {  	p0 =	sne.s32 s0, $0xF800;
	s0 =	sadd.s32 $0x680, s1  }
0x38: {  	[tilespmem:s0], [sflag:$0x1] =	stream.indirect.gather [hbm4b:s30+s14], $0x1, s14, s14, $0xb8;
	[tilespmem:$0xCA00] =	vst v63  }
0x39: {  	s0 =	sadd.s32 $0x700, s1  }
0x3a: {  	[tilespmem:s0], [sflag:$0x1] =	stream.indirect.gather [hbm4b:s30+s14], $0x1, s15, s14, $0xb8;
	[tilespmem:$0xCA00] =	vst v63  }
0x3b: {  	s0 =	sadd.s32 $0x780, s1  }
0x3c: {  	[tilespmem:s0], [sflag:$0x1] =	stream.indirect.gather [hbm4b:s30+s14], $0x1, s16, s14, $0xb8;
	[tilespmem:$0xCA00] =	vst v63  }
0x3d: {  	s0 =	sadd.s32 $0x4600, s1  }
0x3e: {  	[tilespmem:s0], [sflag:$0x1] =	stream.indirect.gather [hbm4b:s28+s14], $0x1, s12, s14, $0xb8;
	[tilespmem:$0xCA00] =	vst v63  }
0x3f: {  	s0 =	sadd.s32 $0x4680, s1  }
0x40: {  	[tilespmem:s0], [sflag:$0x1] =	stream.indirect.gather [hbm4b:s28+s14], $0x1, s17, s14, $0xb8;
	[tilespmem:$0xCA00] =	vst v63  }
0x41: {  	s0 =	sadd.s32 $0x4700, s1  }
0x42: {  	[tilespmem:s0], [sflag:$0x1] =	stream.indirect.gather [hbm4b:s28+s14], $0x1, s18, s14, $0xb8;
	[tilespmem:$0xCA00] =	vst v63  }
0x43: {  	s0 =	sadd.s32 $0x4780, s1  }
0x44: {  	[tilespmem:s0], [sflag:$0x1] =	stream.indirect.gather [hbm4b:s28+s14], $0x1, s19, s14, $0xb8;
	[tilespmem:$0xCA00] =	vst v63  }
0x45: {  	s0 =	sadd.s32 $0x8600, s1  }
0x46: {  	[tilespmem:s0], [sflag:$0x1] =	stream.indirect.gather [hbm4b:s28+s14], $0x1, s13, s14, $0xb8;
	[tilespmem:$0xCA00] =	vst v63  }
.Ltmp0:
0x47: {  	s0 =	sadd.s32 $0x8680, s1;
	(pc) =	sbr.rel @p0 .LBB2_2-.Ltmp0, $4  }
0x48: {  	[tilespmem:s0], [sflag:$0x1] =	stream.indirect.gather [hbm4b:s28+s14], $0x1, s20, s14, $0xb8;
	[tilespmem:$0xCA00] =	vst v63  }
0x49: {  	s30 =	sadd.s32 $0x1E880, s30;
	s0 =	sadd.s32 $0x8700, s1  }
0x4a: {  	[tilespmem:s0], [sflag:$0x1] =	stream.indirect.gather [hbm4b:s28+s14], $0x1, s21, s14, $0xb8;
	[tilespmem:$0xCA00] =	vst v63  }
0x4b: {  	s1 =	sadd.s32 $0x8780, s1;
	s28 =	sadd.s32 $0x1E880, s28;
	s0 =	smov.u32 s24  }
0x4c: {  	[tilespmem:s1], [sflag:$0x1] =	stream.indirect.gather [hbm4b:s31+s14], $0x1, s22, s14, $0xb8;
	[tilespmem:$0xCA00] =	vst v63  }
0x4d: {  	s0 =	sadd.s32 $0x600, s29  }
0x4e: {  	[tilespmem:s0], [sflag:$0x1] =	stream.indirect.gather [hbm4b:s30+s14], $0x1, s2, s14, $0xb8;
	[tilespmem:$0xCA00] =	vst v63  }
0x4f: {  	s31 =	sadd.s32 $0x680, s29  }
0x50: {  	[tilespmem:s31], [sflag:$0x1] =	stream.indirect.gather [hbm4b:s30+s14], $0x1, s14, s14, $0xb8;
	[tilespmem:$0xCA00] =	vst v63  }
0x51: {  	s1 =	sadd.s32 $0x700, s29  }
0x52: {  	[tilespmem:s1], [sflag:$0x1] =	stream.indirect.gather [hbm4b:s30+s14], $0x1, s15, s14, $0xb8;
	[tilespmem:$0xCA00] =	vst v63  }
0x53: {  	s24 =	sadd.s32 $0x780, s29  }
0x54: {  	[tilespmem:s24], [sflag:$0x1] =	stream.indirect.gather [hbm4b:s30+s14], $0x1, s16, s14, $0xb8;
	[tilespmem:$0xCA00] =	vst v63  }
0x55: {  	s25 =	sadd.s32 $0x4600, s29  }
0x56: {  	[tilespmem:s25], [sflag:$0x1] =	stream.indirect.gather [hbm4b:s28+s14], $0x1, s12, s14, $0xb8;
	[tilespmem:$0xCA00] =	vst v63  }
0x57: {  	s30 =	sadd.s32 $0x4680, s29  }
0x58: {  	[tilespmem:s30], [sflag:$0x1] =	stream.indirect.gather [hbm4b:s28+s14], $0x1, s17, s14, $0xb8;
	[tilespmem:$0xCA00] =	vst v63  }
0x59: {  	s31 =	sadd.s32 $0x4700, s29  }
0x5a: {  	[tilespmem:s31], [sflag:$0x1] =	stream.indirect.gather [hbm4b:s28+s14], $0x1, s18, s14, $0xb8;
	[tilespmem:$0xCA00] =	vst v63  }
0x5b: {  	s1 =	sadd.s32 $0x4780, s29  }
0x5c: {  	[tilespmem:s1], [sflag:$0x1] =	stream.indirect.gather [hbm4b:s28+s14], $0x1, s19, s14, $0xb8;
	[tilespmem:$0xCA00] =	vst v63  }
0x5d: {  	s24 =	sadd.s32 $0x8600, s29  }
0x5e: {  	[tilespmem:s24], [sflag:$0x1] =	stream.indirect.gather [hbm4b:s28+s14], $0x1, s13, s14, $0xb8;
	[tilespmem:$0xCA00] =	vst v63  }
0x5f: {  	s25 =	sadd.s32 $0x8680, s29  }
0x60: {  	[tilespmem:s25], [sflag:$0x1] =	stream.indirect.gather [hbm4b:s28+s14], $0x1, s20, s14, $0xb8;
	[tilespmem:$0xCA00] =	vst v63  }
0x61: {  	s30 =	sadd.s32 $0x8700, s29  }
0x62: {  	[tilespmem:s30], [sflag:$0x1] =	stream.indirect.gather [hbm4b:s28+s14], $0x1, s21, s14, $0xb8;
	[tilespmem:$0xCA00] =	vst v63  }
0x63: {  	s31 =	sadd.s32 $0x8780, s29  }
0x64: {  	[tilespmem:s31], [sflag:$0x1] =	stream.indirect.gather [hbm4b:s28+s14], $0x1, s22, s14, $0xb8;
	[tilespmem:$0xCA00] =	vst v63  }
0x65: {  	_ =	swait.ge [sflag:s23], $0x80  }
0x66: {  	[sflag:s23] =	ssyncset.done $0x0  }
0x67: {  	[sflag:s23] =	ssyncadd.s32 $0xFFFFFF80  }
0x68: {  	_ =	swait.ge [sflag:s23], $0x80  }
0x69: {  	[sflag:s23] =	ssyncset.done $0x0  }
0x6a: {  	[sflag:s23] =	ssyncadd.s32 $0xFFFFFF80  }
0x6b: {  	_ =	swait.ge [sflag:s23], $0x80  }
0x6c: {  	[sflag:s23] =	ssyncset.done $0x0  }
0x6d: {  	[sflag:s23] =	ssyncadd.s32 $0xFFFFFF80  }
0x6e: {  	_ =	swait.ge [sflag:s23], $0x80  }
0x6f: {  	[sflag:s23] =	ssyncset.done $0x0  }
0x70: {  	[sflag:s23] =	ssyncadd.s32 $0xFFFFFF80  }
0x71: {  	_ =	swait.ge [sflag:s23], $0x80  }
0x72: {  	[sflag:s23] =	ssyncset.done $0x0  }
0x73: {  	[sflag:s23] =	ssyncadd.s32 $0xFFFFFF80  }
0x74: {  	_ =	swait.ge [sflag:s23], $0x80  }
0x75: {  	[sflag:s23] =	ssyncset.done $0x0  }
0x76: {  	[sflag:s23] =	ssyncadd.s32 $0xFFFFFF80  }
0x77: {  	_ =	swait.ge [sflag:s23], $0x80  }
0x78: {  	[sflag:s23] =	ssyncset.done $0x0  }
0x79: {  	[sflag:s23] =	ssyncadd.s32 $0xFFFFFF80  }
0x7a: {  	_ =	swait.ge [sflag:s23], $0x80  }
0x7b: {  	[sflag:s23] =	ssyncset.done $0x0  }
0x7c: {  	[sflag:s23] =	ssyncadd.s32 $0xFFFFFF80  }
0x7d: {  	_ =	swait.ge [sflag:s23], $0x80  }
0x7e: {  	[sflag:s23] =	ssyncset.done $0x0  }
0x7f: {  	[sflag:s23] =	ssyncadd.s32 $0xFFFFFF80  }
0x80: {  	_ =	swait.ge [sflag:s23], $0x80  }
0x81: {  	[sflag:s23] =	ssyncset.done $0x0  }
0x82: {  	[sflag:s23] =	ssyncadd.s32 $0xFFFFFF80  }
0x83: {  	_ =	swait.ge [sflag:s23], $0x80  }
0x84: {  	[sflag:s23] =	ssyncset.done $0x0  }
0x85: {  	[sflag:s23] =	ssyncadd.s32 $0xFFFFFF80  }
0x86: {  	_ =	swait.ge [sflag:s23], $0x80  }
0x87: {  	s28 =	simm.s32 $0x1F;
	[sflag:s23] =	ssyncset.done $0x0  }
.LBB2_4:
0x88: {  	p0 =	sne.s32 s28, $0x1;
	s28 =	sadd.s32 $0xFFFFFFFF, s28;
	[sflag:s23] =	ssyncadd.s32 $0xFFFFFF80  }
0x89: {  	_ =	swait.ge [sflag:s23], $0x80  }
0x8a: {  	[sflag:s23] =	ssyncset.done $0x0  }
0x8b: {  	[sflag:s23] =	ssyncadd.s32 $0xFFFFFF80  }
0x8c: {  	_ =	swait.ge [sflag:s23], $0x80  }
0x8d: {  	[sflag:s23] =	ssyncset.done $0x0  }
0x8e: {  	[sflag:s23] =	ssyncadd.s32 $0xFFFFFF80  }
0x8f: {  	_ =	swait.ge [sflag:s23], $0x80  }
0x90: {  	[sflag:s23] =	ssyncset.done $0x0  }
0x91: {  	[sflag:s23] =	ssyncadd.s32 $0xFFFFFF80  }
0x92: {  	_ =	swait.ge [sflag:s23], $0x80  }
0x93: {  	[sflag:s23] =	ssyncset.done $0x0  }
0x94: {  	[sflag:s23] =	ssyncadd.s32 $0xFFFFFF80  }
0x95: {  	_ =	swait.ge [sflag:s23], $0x80  }
0x96: {  	[sflag:s23] =	ssyncset.done $0x0  }
0x97: {  	[sflag:s23] =	ssyncadd.s32 $0xFFFFFF80  }
0x98: {  	_ =	swait.ge [sflag:s23], $0x80  }
0x99: {  	[sflag:s23] =	ssyncset.done $0x0  }
0x9a: {  	[sflag:s23] =	ssyncadd.s32 $0xFFFFFF80  }
0x9b: {  	_ =	swait.ge [sflag:s23], $0x80  }
0x9c: {  	[sflag:s23] =	ssyncset.done $0x0  }
0x9d: {  	[sflag:s23] =	ssyncadd.s32 $0xFFFFFF80  }
0x9e: {  	_ =	swait.ge [sflag:s23], $0x80  }
0x9f: {  	[sflag:s23] =	ssyncset.done $0x0  }
0xa0: {  	[sflag:s23] =	ssyncadd.s32 $0xFFFFFF80  }
0xa1: {  	_ =	swait.ge [sflag:s23], $0x80  }
0xa2: {  	[sflag:s23] =	ssyncset.done $0x0  }
0xa3: {  	[sflag:s23] =	ssyncadd.s32 $0xFFFFFF80  }
0xa4: {  	_ =	swait.ge [sflag:s23], $0x80  }
0xa5: {  	[sflag:s23] =	ssyncset.done $0x0  }
0xa6: {  	[sflag:s23] =	ssyncadd.s32 $0xFFFFFF80  }
.Ltmp1:
0xa7: {  	_ =	swait.ge [sflag:s23], $0x80;
	(pc) =	sbr.rel @p0 .LBB2_4-.Ltmp1, $4  }
0xa8: {  	[sflag:s23] =	ssyncset.done $0x0  }
0xa9: {  	[sflag:s23] =	ssyncadd.s32 $0xFFFFFF80  }
0xaa: {  	_ =	swait.ge [sflag:s23], $0x80  }
0xab: {  	[sflag:s23] =	ssyncset.done $0x0  }
0xac: {  	[sflag:s23] =	ssyncadd.s32 $0xFFFFFF80;
	s28 =	simm.s32 $0x0  }
0xad: {  	v15 =	vld [tilespmem:s28+$0x600]  }
0xae: {  	v0 =	vld [tilespmem:s28+$0x8600]  }
0xaf: {  	v13 =	vld [tilespmem:s28+$0x800]  }
0xb0: {  	v1 =	vld [tilespmem:s28+$0x8800]  }
0xb1: {  	v11 =	vld [tilespmem:s28+$0xA00]  }
0xb2: {  	v2 =	vld [tilespmem:s28+$0x8A00]  }
0xb3: {  	v9 =	vld [tilespmem:s28+$0xC00]  }
0xb4: {  	v4 =	vld [tilespmem:s28+$0x8C00]  }
0xb5: {  	v8 =	vld [tilespmem:s28+$0x8E00]  }
0xb6: {  	v5 =	vld [tilespmem:s28+$0x1000]  }
0xb7: {  	v6 =	vld [tilespmem:s28+$0x1200]  }
0xb8: {  	v7 =	vld [tilespmem:s28+$0x1400]  }
0xb9: {  	v14 =	vld [tilespmem:s28+$0x9400]  }
0xba: {  	v10 =	vld [tilespmem:s28+$0x1800]  }
0xbb: {  	v12 =	vld [tilespmem:s28+$0x1A00];
	v3 =	vmul.f32 v0, v15  }
0xbc: {  	v18 =	vld [tilespmem:s28+$0x9A00]  }
0xbd: {  	v16 =	vld [tilespmem:s28+$0x1E00];
	v1 =	vmul.f32 v1, v13;
	v3 =	vadd.f32 $0.0e+00, v3  }
0xbe: {  	v0 =	vld [tilespmem:s28+$0xE00]  }
0xbf: {  	v17 =	vld [tilespmem:s28+$0x2000];
	v2 =	vmul.f32 v2, v11;
	v1 =	vadd.f32 v1, v3  }
0xc0: {  	v3 =	vld [tilespmem:s28+$0x9000]  }
0xc1: {  	v19 =	vld [tilespmem:s28+$0xA000];
	v1 =	vadd.f32 v2, v1;
	v2 =	vmul.f32 v4, v9  }
0xc2: {  	v4 =	vld [tilespmem:s28+$0x9200]  }
0xc3: {  	v20 =	vld [tilespmem:s28+$0x2400];
	v1 =	vadd.f32 v2, v1;
	v2 =	vmul.f32 v8, v0  }
0xc4: {  	v21 =	vld [tilespmem:s28+$0x2600]  }
0xc5: {  	v8 =	vld [tilespmem:s28+$0x1600];
	v1 =	vadd.f32 v2, v1;
	v2 =	vmul.f32 v3, v5  }
0xc6: {  	v3 =	vld [tilespmem:s28+$0x9600]  }
0xc7: {  	v22 =	vld [tilespmem:s28+$0x2800];
	v1 =	vadd.f32 v2, v1;
	v2 =	vmul.f32 v4, v6  }
0xc8: {  	v4 =	vld [tilespmem:s28+$0x9800]  }
0xc9: {  	v23 =	vld [tilespmem:s28+$0x2A00];
	v1 =	vadd.f32 v2, v1;
	v2 =	vmul.f32 v14, v7  }
0xca: {  	v24 =	vld [tilespmem:s28+$0x2C00]  }
0xcb: {  	v14 =	vld [tilespmem:s28+$0x1C00];
	v1 =	vadd.f32 v2, v1;
	v2 =	vmul.f32 v3, v8  }
0xcc: {  	v3 =	vld [tilespmem:s28+$0x9C00]  }
0xcd: {  	v26 =	vld [tilespmem:s28+$0x2E00];
	v1 =	vadd.f32 v2, v1;
	v2 =	vmul.f32 v4, v10  }
0xce: {  	v4 =	vld [tilespmem:s28+$0x9E00]  }
0xcf: {  	v27 =	vld [tilespmem:s28+$0x3000];
	v1 =	vadd.f32 v2, v1;
	v2 =	vmul.f32 v18, v12  }
0xd0: {  	v28 =	vld [tilespmem:s28+$0x3200]  }
0xd1: {  	v18 =	vld [tilespmem:s28+$0x2200];
	v1 =	vadd.f32 v2, v1;
	v2 =	vmul.f32 v3, v14  }
0xd2: {  	v3 =	vld [tilespmem:s28+$0xA200]  }
0xd3: {  	v29 =	vld [tilespmem:s28+$0x3400];
	v1 =	vadd.f32 v2, v1;
	v2 =	vmul.f32 v4, v16  }
0xd4: {  	v4 =	vld [tilespmem:s28+$0xA400]  }
0xd5: {  	v30 =	vld [tilespmem:s28+$0x3600];
	v1 =	vadd.f32 v2, v1;
	v2 =	vmul.f32 v19, v17  }
0xd6: {  	v19 =	vld [tilespmem:s28+$0xA600]  }
0xd7: {  	v31 =	vld [tilespmem:s28+$0x3800];
	v1 =	vadd.f32 v2, v1;
	v2 =	vmul.f32 v3, v18  }
0xd8: {  	v3 =	vld [tilespmem:s28+$0xA800]  }
0xd9: {  	v33 =	vld [tilespmem:s28+$0x3A00];
	v1 =	vadd.f32 v2, v1;
	v2 =	vmul.f32 v4, v20  }
0xda: {  	v4 =	vld [tilespmem:s28+$0xAA00]  }
0xdb: {  	v34 =	vld [tilespmem:s28+$0x3C00];
	v1 =	vadd.f32 v2, v1;
	v2 =	vmul.f32 v19, v21  }
0xdc: {  	v19 =	vld [tilespmem:s28+$0xAC00]  }
0xdd: {  	v25 =	vld [tilespmem:s28+$0xBC00];
	v1 =	vadd.f32 v2, v1;
	v2 =	vmul.f32 v3, v22  }
0xde: {  	v3 =	vld [tilespmem:s28+$0xAE00]  }
0xdf: {  	v32 =	vld [tilespmem:s28+$0xBE00];
	v1 =	vadd.f32 v2, v1;
	v2 =	vmul.f32 v4, v23  }
0xe0: {  	v4 =	vld [tilespmem:s28+$0xB000]  }
0xe1: {  	v35 =	vld [tilespmem:s28+$0xC000];
	v1 =	vadd.f32 v2, v1;
	v2 =	vmul.f32 v19, v24  }
0xe2: {  	v19 =	vld [tilespmem:s28+$0xB200]  }
0xe3: {  	v36 =	vld [tilespmem:s28+$0xC200];
	v1 =	vadd.f32 v2, v1;
	v2 =	vmul.f32 v3, v26  }
0xe4: {  	v3 =	vld [tilespmem:s28+$0xB400]  }
0xe5: {  	v51 =	vld [tilespmem:s28+$0xC400];
	v1 =	vadd.f32 v2, v1;
	v2 =	vmul.f32 v4, v27  }
0xe6: {  	v4 =	vld [tilespmem:s28+$0xB600]  }
0xe7: {  	v37 =	vld [tilespmem:s28+$0x4600];
	v1 =	vadd.f32 v2, v1;
	v2 =	vmul.f32 v19, v28  }
0xe8: {  	v19 =	vld [tilespmem:s28+$0xB800]  }
0xe9: {  	v52 =	vld [tilespmem:s28+$0x4800];
	v1 =	vadd.f32 v2, v1;
	v2 =	vmul.f32 v3, v29  }
0xea: {  	v3 =	vld [tilespmem:s28+$0xBA00]  }
0xeb: {  	v38 =	vld [tilespmem:s28+$0x4A00];
	v4 =	vmul.f32 v4, v30;
	v2 =	vadd.f32 v2, v1  }
0xec: {  	v53 =	vld [tilespmem:s28+$0x4C00]  }
0xed: {  	v39 =	vld [tilespmem:s28+$0x4E00];
	v19 =	vmul.f32 v19, v31;
	v4 =	vadd.f32 v4, v2  }
0xee: {  	v1 =	vld [tilespmem:s28+$0x3E00]  }
0xef: {  	v54 =	vld [tilespmem:s28+$0x5000];
	v4 =	vadd.f32 v19, v4;
	v19 =	vmul.f32 v3, v33  }
0xf0: {  	v2 =	vld [tilespmem:s28+$0x4000]  }
0xf1: {  	v40 =	vld [tilespmem:s28+$0x5200];
	v25 =	vmul.f32 v25, v34;
	v19 =	vadd.f32 v19, v4  }
0xf2: {  	v15 =	vmul.f32 v37, v15;
	v3 =	vld [tilespmem:s28+$0x4200]  }
0xf3: {  	v55 =	vld [tilespmem:s28+$0x5600];
	v19 =	vadd.f32 v25, v19;
	v25 =	vmul.f32 v32, v1  }
0xf4: {  	v13 =	vmul.f32 v52, v13;
	v15 =	vadd.f32 $0.0e+00, v15;
	v4 =	vld [tilespmem:s28+$0x4400]  }
0xf5: {  	v56 =	vld [tilespmem:s28+$0x5C00];
	v19 =	vadd.f32 v25, v19;
	v25 =	vmul.f32 v35, v2  }
0xf6: {  	v57 =	vld [tilespmem:s28+$0x6000];
	v11 =	vmul.f32 v38, v11;
	v13 =	vadd.f32 v13, v15  }
0xf7: {  	v58 =	vld [tilespmem:s28+$0x6400];
	v19 =	vadd.f32 v25, v19;
	v25 =	vmul.f32 v36, v3  }
0xf8: {  	v59 =	vld [tilespmem:s28+$0x6800];
	v9 =	vmul.f32 v53, v9;
	v11 =	vadd.f32 v11, v13  }
0xf9: {  	v60 =	vld [tilespmem:s28+$0x6A00];
	v19 =	vadd.f32 v25, v19;
	v25 =	vmul.f32 v51, v4  }
0xfa: {  	v61 =	vld [tilespmem:s28+$0x6C00];
	v0 =	vmul.f32 v39, v0;
	v9 =	vadd.f32 v9, v11  }
0xfb: {  	v19 =	vadd.f32 v25, v19;
	v25 =	vld [tilespmem:s28+$0x5400]  }
0xfc: {  	v41 =	vld [tilespmem:s28+$0x6E00];
	v5 =	vmul.f32 v54, v5;
	v0 =	vadd.f32 v0, v9  }
0xfd: {  	v42 =	vld [tilespmem:s28+$0x7000]  }
0xfe: {  	v15 =	vld [tilespmem:s28+$0x5A00];
	v6 =	vmul.f32 v40, v6;
	v0 =	vadd.f32 v5, v0  }
0xff: {  	[tilespmem:s28+$0xC800] =	vst v19;
	v19 =	vld [tilespmem:s28+$0x5800]  }
0x100: {  	v13 =	vld [tilespmem:s28+$0x5E00];
	v0 =	vadd.f32 v6, v0;
	v5 =	vmul.f32 v25, v7  }
0x101: {  	v43 =	vld [tilespmem:s28+$0x7600]  }
0x102: {  	v62 =	vld [tilespmem:s28+$0x7200];
	v6 =	vmul.f32 v55, v8;
	v0 =	vadd.f32 v5, v0  }
0x103: {  	v11 =	vld [tilespmem:s28+$0x6200]  }
0x104: {  	v63 =	vld [tilespmem:s28+$0x7C00];
	v8 =	vmul.f32 v19, v10;
	v0 =	vadd.f32 v6, v0  }
0x105: {  	v9 =	vld [tilespmem:s28+$0x6600];
	v13 =	vmul.f32 v13, v16;
	v12 =	vmul.f32 v15, v12  }
0x106: {  	v16 =	vmul.f32 v43, v30;
	v32 =	vmul.f32 v59, v22;
	v19 =	vld [tilespmem:s28+$0x7400];
	v0 =	vadd.f32 v8, v0  }
0x107: {  	v35 =	vmul.f32 v56, v14;
	v5 =	vmul.f32 v57, v17;
	v17 =	vld [tilespmem:s28+$0x7800]  }
0x108: {  	v14 =	vmul.f32 v62, v28;
	v6 =	vmul.f32 v11, v18;
	v11 =	vld [tilespmem:s28+$0x7A00];
	v0 =	vadd.f32 v12, v0  }
0x109: {  	v7 =	vmul.f32 v58, v20;
	v25 =	vld [tilespmem:s28+$0x7E00];
	v20 =	vmul.f32 v42, v27  }
0x10a: {  	v8 =	vmul.f32 v9, v21;
	v21 =	vmul.f32 v61, v24;
	v24 =	vld [tilespmem:s28+$0x8000];
	v0 =	vadd.f32 v35, v0  }
0x10b: {  	v22 =	vld [tilespmem:s28+$0x8200];
	v10 =	vmul.f32 v60, v23;
	v15 =	vmul.f32 v19, v29  }
0x10c: {  	s29 =	simm.s32 $0x10;
	v23 =	vld [tilespmem:s28+$0x8400];
	v17 =	vmul.f32 v17, v31;
	v19 =	vmul.f32 v63, v34;
	v9 =	vadd.f32 v13, v0  }
0x10d: {  	s30 =	simm.s32 $0x80;
	v12 =	vmul.f32 v41, v26;
	v18 =	vmul.f32 v11, v33;
	v0 =	vld [tilespmem:s29+$0x600]  }
.LBB2_6:
0x10e: {  	p0 =	sne.s32 s30, $0x7C0;
	v11 =	vld [tilespmem:s29+$0x8600];
	v9 =	vadd.f32 v5, v9;
	v1 =	vmul.f32 v25, v1  }
0x10f: {  	v5 =	vld [tilespmem:s29+$0x800];
	v2 =	vmul.f32 v24, v2  }
0x110: {  	v13 =	vld [tilespmem:s29+$0x8800];
	v9 =	vadd.f32 v6, v9;
	v3 =	vmul.f32 v22, v3  }
0x111: {  	v6 =	vld [tilespmem:s29+$0xA00];
	v4 =	vmul.f32 v23, v4  }
0x112: {  	v22 =	vld [tilespmem:s29+$0x8A00];
	v9 =	vadd.f32 v7, v9  }
0x113: {  	v11 =	vmul.f32 v11, v0;
	v7 =	vld [tilespmem:s29+$0xC00]  }
0x114: {  	v23 =	vld [tilespmem:s29+$0x8C00];
	v9 =	vadd.f32 v8, v9  }
0x115: {  	v11 =	vadd.f32 $0.0e+00, v11;
	v13 =	vmul.f32 v13, v5;
	v8 =	vld [tilespmem:s29+$0xE00]  }
0x116: {  	v24 =	vld [tilespmem:s29+$0x8E00];
	v25 =	vadd.f32 v32, v9  }
0x117: {  	v11 =	vadd.f32 v13, v11;
	v13 =	vmul.f32 v22, v6;
	v9 =	vld [tilespmem:s29+$0x1000]  }
0x118: {  	v22 =	vld [tilespmem:s29+$0x9000];
	v25 =	vadd.f32 v10, v25  }
0x119: {  	v11 =	vadd.f32 v13, v11;
	v13 =	vmul.f32 v23, v7;
	v10 =	vld [tilespmem:s29+$0x1200]  }
0x11a: {  	v23 =	vld [tilespmem:s29+$0x9200];
	v21 =	vadd.f32 v21, v25  }
0x11b: {  	v13 =	vadd.f32 v13, v11;
	v24 =	vmul.f32 v24, v8;
	v11 =	vld [tilespmem:s29+$0x1400]  }
0x11c: {  	v25 =	vld [tilespmem:s29+$0x9400];
	v21 =	vadd.f32 v12, v21  }
0x11d: {  	v13 =	vadd.f32 v24, v13;
	v22 =	vmul.f32 v22, v9;
	v12 =	vld [tilespmem:s29+$0x1600]  }
0x11e: {  	v24 =	vld [tilespmem:s29+$0x9600];
	v20 =	vadd.f32 v20, v21  }
0x11f: {  	v21 =	vadd.f32 v22, v13;
	v22 =	vmul.f32 v23, v10;
	v13 =	vld [tilespmem:s29+$0x1800]  }
0x120: {  	v23 =	vld [tilespmem:s29+$0x9800];
	v20 =	vadd.f32 v14, v20  }
0x121: {  	v21 =	vadd.f32 v22, v21;
	v22 =	vmul.f32 v25, v11;
	v14 =	vld [tilespmem:s29+$0x1A00]  }
0x122: {  	v25 =	vld [tilespmem:s29+$0x9A00];
	v20 =	vadd.f32 v15, v20  }
0x123: {  	v21 =	vadd.f32 v22, v21;
	v22 =	vmul.f32 v24, v12;
	v15 =	vld [tilespmem:s29+$0x1C00]  }
0x124: {  	v24 =	vld [tilespmem:s29+$0x9C00];
	v20 =	vadd.f32 v16, v20  }
0x125: {  	v21 =	vadd.f32 v22, v21;
	v22 =	vmul.f32 v23, v13;
	v16 =	vld [tilespmem:s29+$0x1E00]  }
0x126: {  	v23 =	vld [tilespmem:s29+$0x9E00];
	v20 =	vadd.f32 v17, v20  }
0x127: {  	v21 =	vadd.f32 v22, v21;
	v22 =	vmul.f32 v25, v14;
	v17 =	vld [tilespmem:s29+$0x2000]  }
0x128: {  	v25 =	vld [tilespmem:s29+$0xA000];
	v20 =	vadd.f32 v18, v20  }
0x129: {  	v21 =	vadd.f32 v22, v21;
	v22 =	vmul.f32 v24, v15;
	v18 =	vld [tilespmem:s29+$0x2200]  }
0x12a: {  	v24 =	vld [tilespmem:s29+$0xA200];
	v20 =	vadd.f32 v19, v20  }
0x12b: {  	v21 =	vadd.f32 v22, v21;
	v22 =	vmul.f32 v23, v16;
	v19 =	vld [tilespmem:s29+$0x2400]  }
0x12c: {  	v23 =	vld [tilespmem:s29+$0xA400];
	v1 =	vadd.f32 v1, v20  }
0x12d: {  	v21 =	vadd.f32 v22, v21;
	v22 =	vmul.f32 v25, v17;
	v20 =	vld [tilespmem:s29+$0x2600]  }
0x12e: {  	v25 =	vld [tilespmem:s29+$0xA600];
	v1 =	vadd.f32 v2, v1  }
0x12f: {  	v2 =	vadd.f32 v22, v21;
	v22 =	vmul.f32 v24, v18;
	v21 =	vld [tilespmem:s29+$0x2800]  }
0x130: {  	v24 =	vld [tilespmem:s29+$0xA800];
	v1 =	vadd.f32 v3, v1  }
0x131: {  	v2 =	vadd.f32 v22, v2;
	v3 =	vmul.f32 v23, v19;
	v22 =	vld [tilespmem:s29+$0x2A00]  }
0x132: {  	v26 =	vld [tilespmem:s29+$0xAA00];
	v1 =	vadd.f32 v4, v1  }
0x133: {  	v2 =	vadd.f32 v3, v2;
	v3 =	vmul.f32 v25, v20;
	v23 =	vld [tilespmem:s29+$0x2C00]  }
0x134: {  	v4 =	vld [tilespmem:s29+$0xAC00];
	[tilespmem:s28+$0xC600] =	vst v1;
	s28 =	smov.u32 s29  }
0x135: {  	v1 =	vadd.f32 v3, v2;
	v2 =	vmul.f32 v24, v21;
	v24 =	vld [tilespmem:s28+$0x2E00]  }
0x136: {  	v3 =	vld [tilespmem:s28+$0xAE00]  }
0x137: {  	v1 =	vadd.f32 v2, v1;
	v2 =	vmul.f32 v26, v22;
	v25 =	vld [tilespmem:s28+$0x3000]  }
0x138: {  	v28 =	vld [tilespmem:s28+$0xB000]  }
0x139: {  	v1 =	vadd.f32 v2, v1;
	v2 =	vmul.f32 v4, v23;
	v26 =	vld [tilespmem:s28+$0x3200]  }
0x13a: {  	v4 =	vld [tilespmem:s28+$0xB200]  }
0x13b: {  	v1 =	vadd.f32 v2, v1;
	v2 =	vmul.f32 v3, v24;
	v27 =	vld [tilespmem:s28+$0x3400]  }
0x13c: {  	v3 =	vld [tilespmem:s28+$0xB400]  }
0x13d: {  	v1 =	vadd.f32 v2, v1;
	v2 =	vmul.f32 v28, v25;
	v28 =	vld [tilespmem:s28+$0x3600]  }
0x13e: {  	v31 =	vld [tilespmem:s28+$0xB600]  }
0x13f: {  	v1 =	vadd.f32 v2, v1;
	v2 =	vmul.f32 v4, v26;
	v29 =	vld [tilespmem:s28+$0x3800]  }
0x140: {  	v4 =	vld [tilespmem:s28+$0xB800]  }
0x141: {  	v1 =	vadd.f32 v2, v1;
	v2 =	vmul.f32 v3, v27;
	v30 =	vld [tilespmem:s28+$0x3A00]  }
0x142: {  	v3 =	vld [tilespmem:s28+$0xBA00]  }
0x143: {  	v1 =	vadd.f32 v2, v1;
	v2 =	vmul.f32 v31, v28;
	v31 =	vld [tilespmem:s28+$0x3C00]  }
0x144: {  	v32 =	vld [tilespmem:s28+$0xBC00]  }
0x145: {  	v2 =	vadd.f32 v2, v1;
	v4 =	vmul.f32 v4, v29;
	v1 =	vld [tilespmem:s28+$0x3E00]  }
0x146: {  	v33 =	vld [tilespmem:s28+$0xBE00]  }
0x147: {  	v4 =	vadd.f32 v4, v2;
	v3 =	vmul.f32 v3, v30;
	v2 =	vld [tilespmem:s28+$0x4000]  }
0x148: {  	v34 =	vld [tilespmem:s28+$0xC000]  }
0x149: {  	v4 =	vadd.f32 v3, v4;
	v32 =	vmul.f32 v32, v31;
	v3 =	vld [tilespmem:s28+$0x4200]  }
0x14a: {  	v35 =	vld [tilespmem:s28+$0xC200]  }
0x14b: {  	v32 =	vadd.f32 v32, v4;
	v33 =	vmul.f32 v33, v1;
	v4 =	vld [tilespmem:s28+$0x4400]  }
0x14c: {  	v36 =	vld [tilespmem:s28+$0xC400]  }
0x14d: {  	v37 =	vld [tilespmem:s28+$0x4600];
	v32 =	vadd.f32 v33, v32;
	v33 =	vmul.f32 v34, v2  }
0x14e: {  	v34 =	vld [tilespmem:s28+$0x4800]  }
0x14f: {  	v38 =	vld [tilespmem:s28+$0x4A00];
	v32 =	vadd.f32 v33, v32;
	v33 =	vmul.f32 v35, v3  }
0x150: {  	v35 =	vld [tilespmem:s28+$0x4C00]  }
0x151: {  	v39 =	vld [tilespmem:s28+$0x4E00];
	v32 =	vadd.f32 v33, v32;
	v33 =	vmul.f32 v36, v4  }
0x152: {  	v0 =	vmul.f32 v37, v0;
	v36 =	vld [tilespmem:s28+$0x5000]  }
0x153: {  	v5 =	vmul.f32 v34, v5;
	v34 =	vld [tilespmem:s28+$0x5200];
	v32 =	vadd.f32 v33, v32  }
0x154: {  	v0 =	vadd.f32 $0.0e+00, v0;
	v6 =	vmul.f32 v38, v6;
	v33 =	vld [tilespmem:s28+$0x5400]  }
0x155: {  	v7 =	vmul.f32 v35, v7;
	v35 =	vld [tilespmem:s28+$0x5600];
	[tilespmem:s28+$0xC800] =	vst v32  }
0x156: {  	v0 =	vadd.f32 v5, v0;
	v5 =	vmul.f32 v39, v8;
	v8 =	vld [tilespmem:s28+$0x5800]  }
0x157: {  	v9 =	vmul.f32 v36, v9;
	v32 =	vld [tilespmem:s28+$0x5A00]  }
0x158: {  	v0 =	vadd.f32 v6, v0;
	v6 =	vmul.f32 v34, v10;
	v10 =	vld [tilespmem:s28+$0x5C00]  }
0x159: {  	v11 =	vmul.f32 v33, v11;
	v33 =	vld [tilespmem:s28+$0x5E00]  }
0x15a: {  	v0 =	vadd.f32 v7, v0;
	v12 =	vmul.f32 v35, v12;
	v7 =	vld [tilespmem:s28+$0x6000]  }
0x15b: {  	v13 =	vmul.f32 v8, v13;
	v8 =	vld [tilespmem:s28+$0x6200]  }
0x15c: {  	v0 =	vadd.f32 v5, v0;
	v14 =	vmul.f32 v32, v14;
	v32 =	vld [tilespmem:s28+$0x6400]  }
0x15d: {  	v34 =	vmul.f32 v10, v15;
	v10 =	vld [tilespmem:s28+$0x6600]  }
0x15e: {  	v0 =	vadd.f32 v9, v0;
	v9 =	vmul.f32 v33, v16;
	v15 =	vld [tilespmem:s28+$0x6800]  }
0x15f: {  	v5 =	vmul.f32 v7, v17;
	v16 =	vld [tilespmem:s28+$0x6A00]  }
0x160: {  	v0 =	vadd.f32 v6, v0;
	v6 =	vmul.f32 v8, v18;
	v17 =	vld [tilespmem:s28+$0x6C00]  }
0x161: {  	v7 =	vmul.f32 v32, v19;
	v18 =	vld [tilespmem:s28+$0x6E00]  }
0x162: {  	v0 =	vadd.f32 v11, v0;
	v8 =	vmul.f32 v10, v20;
	v11 =	vld [tilespmem:s28+$0x7000]  }
0x163: {  	v32 =	vmul.f32 v15, v21;
	v15 =	vld [tilespmem:s28+$0x7200]  }
0x164: {  	v0 =	vadd.f32 v12, v0;
	v10 =	vmul.f32 v16, v22;
	v16 =	vld [tilespmem:s28+$0x7400]  }
0x165: {  	v21 =	vmul.f32 v17, v23;
	v17 =	vld [tilespmem:s28+$0x7600]  }
0x166: {  	v0 =	vadd.f32 v13, v0;
	v12 =	vmul.f32 v18, v24;
	v13 =	vld [tilespmem:s28+$0x7800]  }
0x167: {  	v20 =	vmul.f32 v11, v25;
	v11 =	vld [tilespmem:s28+$0x7A00]  }
0x168: {  	v0 =	vadd.f32 v14, v0;
	v14 =	vmul.f32 v15, v26;
	v19 =	vld [tilespmem:s28+$0x7C00]  }
.Ltmp2:
0x169: {  	v15 =	vmul.f32 v16, v27;
	v25 =	vld [tilespmem:s28+$0x7E00];
	(pc) =	sbr.rel @p0 .LBB2_6-.Ltmp2, $4  }
0x16a: {  	v0 =	vadd.f32 v34, v0;
	v16 =	vmul.f32 v17, v28;
	v24 =	vld [tilespmem:s28+$0x8000]  }
0x16b: {  	v17 =	vmul.f32 v13, v29;
	v22 =	vld [tilespmem:s28+$0x8200]  }
0x16c: {  	s29 =	sshra.s32 s30, $0x2;
	v9 =	vadd.f32 v9, v0;
	v18 =	vmul.f32 v11, v30;
	v23 =	vld [tilespmem:s28+$0x8400]  }
0x16d: {  	s30 =	sadd.s32 $0x40, s30;
	v0 =	vld [tilespmem:s29+$0x600];
	v19 =	vmul.f32 v19, v31  }
0x16e: {  	v26 =	vld [tilespmem:s29+$0x8600];
	v5 =	vadd.f32 v5, v9  }
0x16f: {  	v13 =	vld [tilespmem:s29+$0x800]  }
0x170: {  	v27 =	vld [tilespmem:s29+$0x8800];
	v5 =	vadd.f32 v6, v5  }
0x171: {  	v11 =	vld [tilespmem:s29+$0xA00]  }
0x172: {  	v28 =	vld [tilespmem:s29+$0x8A00];
	v5 =	vadd.f32 v7, v5  }
0x173: {  	v9 =	vld [tilespmem:s29+$0xC00]  }
0x174: {  	v29 =	vld [tilespmem:s29+$0x8C00];
	v5 =	vadd.f32 v8, v5  }
0x175: {  	v30 =	vld [tilespmem:s29+$0x8E00]  }
0x176: {  	v63 =	vld [tilespmem:s29+$0x9000];
	v61 =	vadd.f32 v32, v5  }
0x177: {  	v36 =	vld [tilespmem:s29+$0x9200]  }
0x178: {  	v39 =	vld [tilespmem:s29+$0x9400];
	v10 =	vadd.f32 v10, v61  }
0x179: {  	v41 =	vld [tilespmem:s29+$0x9600]  }
0x17a: {  	v43 =	vld [tilespmem:s29+$0x9800];
	v10 =	vadd.f32 v21, v10  }
0x17b: {  	v44 =	vld [tilespmem:s29+$0x9A00]  }
0x17c: {  	v46 =	vld [tilespmem:s29+$0x9C00];
	v62 =	vmul.f32 v26, v0;
	v12 =	vadd.f32 v12, v10  }
0x17d: {  	v48 =	vld [tilespmem:s29+$0x9E00]  }
0x17e: {  	v50 =	vld [tilespmem:s29+$0xA000];
	v27 =	vmul.f32 v27, v13;
	v31 =	vadd.f32 $0.0e+00, v62;
	v20 =	vadd.f32 v20, v12  }
0x17f: {  	v7 =	vld [tilespmem:s29+$0xE00]  }
0x180: {  	v52 =	vld [tilespmem:s29+$0xA200];
	v38 =	vmul.f32 v28, v11;
	v37 =	vadd.f32 v27, v31;
	v20 =	vadd.f32 v14, v20  }
0x181: {  	v25 =	vmul.f32 v25, v1;
	v5 =	vld [tilespmem:s29+$0x1000]  }
0x182: {  	v1 =	vld [tilespmem:s29+$0x2400];
	v40 =	vmul.f32 v29, v9;
	v21 =	vadd.f32 v38, v37;
	v20 =	vadd.f32 v15, v20  }
0x183: {  	v6 =	vld [tilespmem:s29+$0x1200]  }
0x184: {  	v55 =	vld [tilespmem:s29+$0xA400];
	v42 =	vmul.f32 v30, v7;
	v21 =	vadd.f32 v40, v21;
	v20 =	vadd.f32 v16, v20  }
0x185: {  	v8 =	vld [tilespmem:s29+$0x1400]  }
0x186: {  	v57 =	vld [tilespmem:s29+$0xA600];
	v26 =	vmul.f32 v63, v5;
	v21 =	vadd.f32 v42, v21;
	v20 =	vadd.f32 v17, v20  }
0x187: {  	v10 =	vld [tilespmem:s29+$0x1600]  }
0x188: {  	v59 =	vld [tilespmem:s29+$0xA800];
	v45 =	vmul.f32 v36, v6;
	v21 =	vadd.f32 v26, v21;
	v20 =	vadd.f32 v18, v20  }
0x189: {  	v24 =	vmul.f32 v24, v2;
	v12 =	vld [tilespmem:s29+$0x1800]  }
0x18a: {  	v2 =	vld [tilespmem:s29+$0x2600];
	v47 =	vmul.f32 v39, v8;
	v21 =	vadd.f32 v45, v21;
	v19 =	vadd.f32 v19, v20  }
0x18b: {  	v22 =	vmul.f32 v22, v3;
	v14 =	vld [tilespmem:s29+$0x1A00]  }
0x18c: {  	v3 =	vld [tilespmem:s29+$0x2800];
	v49 =	vmul.f32 v41, v10;
	v21 =	vadd.f32 v47, v21;
	v19 =	vadd.f32 v25, v19  }
0x18d: {  	v15 =	vld [tilespmem:s29+$0x1C00]  }
0x18e: {  	v61 =	vld [tilespmem:s29+$0xAA00];
	v51 =	vmul.f32 v43, v12;
	v21 =	vadd.f32 v49, v21;
	v19 =	vadd.f32 v24, v19  }
0x18f: {  	v4 =	vmul.f32 v23, v4;
	v16 =	vld [tilespmem:s29+$0x1E00]  }
0x190: {  	v63 =	vld [tilespmem:s29+$0xAC00];
	v54 =	vmul.f32 v44, v14;
	v53 =	vadd.f32 v51, v21;
	v19 =	vadd.f32 v22, v19  }
0x191: {  	v17 =	vld [tilespmem:s29+$0x2000]  }
0x192: {  	v56 =	vmul.f32 v46, v15;
	v18 =	vld [tilespmem:s29+$0x2200];
	v20 =	vadd.f32 v54, v53;
	v4 =	vadd.f32 v4, v19  }
0x193: {  	v22 =	vld [tilespmem:s29+$0x2A00]  }
0x194: {  	v58 =	vmul.f32 v48, v16;
	v20 =	vadd.f32 v56, v20;
	v19 =	vld [tilespmem:s29+$0x2C00];
	[tilespmem:s28+$0xC600] =	vst v4  }
0x195: {  	v21 =	vld [tilespmem:s29+$0x2E00]  }
0x196: {  	v60 =	vmul.f32 v50, v17;
	v20 =	vadd.f32 v58, v20;
	v34 =	vld [tilespmem:s29+$0xAE00]  }
0x197: {  	v25 =	vld [tilespmem:s29+$0x3000]  }
0x198: {  	v62 =	vmul.f32 v52, v18;
	v20 =	vadd.f32 v60, v20;
	v36 =	vld [tilespmem:s29+$0xB000]  }
0x199: {  	v24 =	vld [tilespmem:s29+$0x3200]  }
0x19a: {  	v33 =	vmul.f32 v55, v1;
	v32 =	vadd.f32 v62, v20;
	v38 =	vld [tilespmem:s29+$0xB200]  }
0x19b: {  	v23 =	vld [tilespmem:s29+$0x3400]  }
0x19c: {  	v35 =	vmul.f32 v57, v2;
	v4 =	vadd.f32 v33, v32;
	v40 =	vld [tilespmem:s29+$0xB400]  }
0x19d: {  	v27 =	vld [tilespmem:s29+$0x3600]  }
0x19e: {  	v37 =	vmul.f32 v59, v3;
	v42 =	vld [tilespmem:s29+$0xB600];
	v4 =	vadd.f32 v35, v4  }
0x19f: {  	v26 =	vld [tilespmem:s29+$0x3800]  }
0x1a0: {  	v39 =	vmul.f32 v61, v22;
	v44 =	vld [tilespmem:s29+$0xB800];
	v4 =	vadd.f32 v37, v4  }
0x1a1: {  	v28 =	vld [tilespmem:s29+$0x3A00]  }
0x1a2: {  	v33 =	vld [tilespmem:s29+$0xBA00];
	v41 =	vmul.f32 v63, v19;
	v4 =	vadd.f32 v39, v4  }
0x1a3: {  	v29 =	vld [tilespmem:s29+$0x3C00]  }
0x1a4: {  	v30 =	vld [tilespmem:s29+$0x3E00];
	v43 =	vmul.f32 v34, v21;
	v4 =	vadd.f32 v41, v4  }
0x1a5: {  	v50 =	vld [tilespmem:s29+$0x4600]  }
0x1a6: {  	v31 =	vld [tilespmem:s29+$0x4000];
	v45 =	vmul.f32 v36, v25;
	v4 =	vadd.f32 v43, v4  }
0x1a7: {  	v52 =	vld [tilespmem:s29+$0x4800]  }
0x1a8: {  	v54 =	vld [tilespmem:s29+$0x4A00];
	v46 =	vmul.f32 v38, v24;
	v4 =	vadd.f32 v45, v4  }
0x1a9: {  	v57 =	vld [tilespmem:s29+$0x4C00]  }
0x1aa: {  	v58 =	vld [tilespmem:s29+$0xC400];
	v47 =	vmul.f32 v40, v23;
	v55 =	vmul.f32 v50, v0;
	v4 =	vadd.f32 v46, v4  }
0x1ab: {  	v60 =	vld [tilespmem:s29+$0x4E00];
	v48 =	vmul.f32 v42, v27  }
0x1ac: {  	v62 =	vld [tilespmem:s29+$0x5000];
	v13 =	vmul.f32 v52, v13;
	v0 =	vadd.f32 $0.0e+00, v55;
	v4 =	vadd.f32 v47, v4  }
0x1ad: {  	v34 =	vld [tilespmem:s29+$0xBC00];
	v49 =	vmul.f32 v44, v26  }
0x1ae: {  	v35 =	vld [tilespmem:s29+$0xBE00];
	v11 =	vmul.f32 v54, v11;
	v0 =	vadd.f32 v13, v0;
	v4 =	vadd.f32 v48, v4  }
0x1af: {  	v63 =	vld [tilespmem:s29+$0x5200];
	v51 =	vmul.f32 v33, v28  }
0x1b0: {  	v36 =	vld [tilespmem:s29+$0xC000];
	v9 =	vmul.f32 v57, v9;
	v0 =	vadd.f32 v11, v0;
	v4 =	vadd.f32 v49, v4  }
0x1b1: {  	v37 =	vld [tilespmem:s29+$0x4200];
	v7 =	vmul.f32 v60, v7  }
0x1b2: {  	v38 =	vld [tilespmem:s29+$0xC200];
	v53 =	vmul.f32 v34, v29;
	v0 =	vadd.f32 v9, v0;
	v4 =	vadd.f32 v51, v4  }
0x1b3: {  	v5 =	vmul.f32 v62, v5;
	v34 =	vld [tilespmem:s29+$0x5400]  }
0x1b4: {  	v39 =	vld [tilespmem:s29+$0x4400];
	v56 =	vmul.f32 v35, v30;
	v0 =	vadd.f32 v7, v0;
	v4 =	vadd.f32 v53, v4  }
0x1b5: {  	v35 =	vld [tilespmem:s29+$0x5600];
	v59 =	vmul.f32 v36, v31  }
0x1b6: {  	v36 =	vmul.f32 v63, v6;
	v0 =	vadd.f32 v5, v0;
	v4 =	vadd.f32 v56, v4  }
0x1b7: {  	v61 =	vmul.f32 v38, v37;
	v38 =	vld [tilespmem:s29+$0x5800]  }
0x1b8: {  	v40 =	vmul.f32 v34, v8;
	v0 =	vadd.f32 v36, v0;
	v4 =	vadd.f32 v59, v4  }
0x1b9: {  	v41 =	vld [tilespmem:s29+$0x5A00];
	v32 =	vmul.f32 v58, v39  }
0x1ba: {  	v7 =	vmul.f32 v35, v10;
	v0 =	vadd.f32 v40, v0;
	v4 =	vadd.f32 v61, v4  }
0x1bb: {  	v42 =	vld [tilespmem:s29+$0x5C00]  }
0x1bc: {  	v5 =	vmul.f32 v38, v12;
	v0 =	vadd.f32 v7, v0;
	v4 =	vadd.f32 v32, v4  }
0x1bd: {  	v43 =	vld [tilespmem:s29+$0x5E00]  }
0x1be: {  	v0 =	vadd.f32 v5, v0;
	[tilespmem:s29+$0xC800] =	vst v4;
	v4 =	vmul.f32 v41, v14  }
0x1bf: {  	v44 =	vld [tilespmem:s29+$0x6000]  }
0x1c0: {  	v6 =	vmul.f32 v42, v15;
	v0 =	vadd.f32 v4, v0  }
0x1c1: {  	v45 =	vld [tilespmem:s29+$0x6200]  }
0x1c2: {  	v7 =	vmul.f32 v43, v16;
	v0 =	vadd.f32 v6, v0  }
0x1c3: {  	v46 =	vld [tilespmem:s29+$0x6400]  }
0x1c4: {  	v5 =	vmul.f32 v44, v17;
	v0 =	vadd.f32 v7, v0  }
0x1c5: {  	v47 =	vld [tilespmem:s29+$0x6600]  }
0x1c6: {  	v4 =	vmul.f32 v45, v18;
	v0 =	vadd.f32 v5, v0  }
0x1c7: {  	v48 =	vld [tilespmem:s29+$0x6800]  }
0x1c8: {  	v1 =	vmul.f32 v46, v1;
	v0 =	vadd.f32 v4, v0  }
0x1c9: {  	v49 =	vld [tilespmem:s29+$0x6A00]  }
0x1ca: {  	v2 =	vmul.f32 v47, v2;
	v0 =	vadd.f32 v1, v0  }
0x1cb: {  	v50 =	vld [tilespmem:s29+$0x6C00]  }
0x1cc: {  	v3 =	vmul.f32 v48, v3;
	v0 =	vadd.f32 v2, v0  }
0x1cd: {  	v51 =	vld [tilespmem:s29+$0x6E00]  }
0x1ce: {  	v4 =	vmul.f32 v49, v22;
	v0 =	vadd.f32 v3, v0  }
0x1cf: {  	v52 =	vld [tilespmem:s29+$0x7000]  }
0x1d0: {  	v1 =	vmul.f32 v50, v19;
	v0 =	vadd.f32 v4, v0  }
0x1d1: {  	v53 =	vld [tilespmem:s29+$0x7200]  }
0x1d2: {  	v2 =	vmul.f32 v51, v21;
	v0 =	vadd.f32 v1, v0  }
0x1d3: {  	v54 =	vld [tilespmem:s29+$0x7400]  }
0x1d4: {  	v3 =	vmul.f32 v52, v25;
	v0 =	vadd.f32 v2, v0  }
0x1d5: {  	v55 =	vld [tilespmem:s29+$0x7600]  }
0x1d6: {  	v4 =	vmul.f32 v53, v24;
	v0 =	vadd.f32 v3, v0  }
0x1d7: {  	v56 =	vld [tilespmem:s29+$0x7800]  }
0x1d8: {  	v1 =	vmul.f32 v54, v23;
	v0 =	vadd.f32 v4, v0  }
0x1d9: {  	v57 =	vld [tilespmem:s29+$0x7A00]  }
0x1da: {  	v2 =	vmul.f32 v55, v27;
	v0 =	vadd.f32 v1, v0  }
0x1db: {  	v58 =	vld [tilespmem:s29+$0x7C00]  }
0x1dc: {  	v3 =	vmul.f32 v56, v26;
	v0 =	vadd.f32 v2, v0  }
0x1dd: {  	v59 =	vld [tilespmem:s29+$0x7E00]  }
0x1de: {  	v4 =	vmul.f32 v57, v28;
	v0 =	vadd.f32 v3, v0  }
0x1df: {  	v60 =	vld [tilespmem:s29+$0x8000]  }
0x1e0: {  	v1 =	vmul.f32 v58, v29;
	v0 =	vadd.f32 v4, v0  }
0x1e1: {  	v61 =	vld [tilespmem:s29+$0x8200]  }
0x1e2: {  	v2 =	vmul.f32 v59, v30;
	v0 =	vadd.f32 v1, v0  }
0x1e3: {  	v62 =	vld [tilespmem:s29+$0x8400]  }
0x1e4: {  	v3 =	vmul.f32 v60, v31;
	v0 =	vadd.f32 v2, v0;
	_ =	sdelay $0x1  }
0x1e5: {  	v63 =	vmul.f32 v61, v37;
	v0 =	vadd.f32 v3, v0;
	_ =	sdelay $0x1  }
0x1e6: {  	v1 =	vmul.f32 v62, v39;
	v0 =	vadd.f32 v63, v0;
	_ =	sdelay $0x1  }
0x1e7: {  	v0 =	vadd.f32 v1, v0;
	_ =	sdelay $0x1  }
0x1e8: {  	s0 =	simm.s32 $0xC600;
	[tilespmem:s29+$0xC600] =	vst v0  }
0x1e9: {  	[hbm4b:s8+s2] =	stream.linear.scatter [tilespmem:s0], [sflag:$0x2], $0x200, $0x38;
	[tilespmem:$0xCA00] =	vst v63  }
0x1ea: {  	s26 =	sadd.s32 $0x1, s26;
	_ =	swait.ge [sflag:s11], $0x200  }
0x1eb: {  	p0 =	sne.s32 s26, s10;
	[sflag:s11] =	ssyncset.done $0x0  }
.Ltmp3:
0x1ec: {  	s31 =	simm.s32 $0xC800;
	[sflag:s11] =	ssyncadd.s32 $0xFFFFFE00;
	(pc) =	sbr.rel @p0 .LBB2_1-.Ltmp3, $4  }
0x1ed: {  	[hbm4b:s9+s2] =	stream.linear.scatter [tilespmem:s31], [sflag:$0x2], $0x200, $0x38;
	[tilespmem:$0xCA00] =	vst v63  }
0x1ee: {  	_ =	swait.ge [sflag:s11], $0x200  }
0x1ef: {  	[sflag:s11] =	ssyncset.done $0x0  }
0x1f0: {  	[sflag:s11] =	ssyncadd.s32 $0xFFFFFE00  }
0x1f1: {  	_ =	sfence.sel $0x180000  }
0x1f2: {  	[bflag:$0x0] =	sbarrier.arrive $0xFFFF  }
0x1f3: {  	_ =	strace $0x90000047  }
0x1f4: {  	s0 =	stileid.u32;
	[bflag:$0x2] =	sbarrier.arrive $0xFFFF  }
0x1f5: {  	p0 =	sne.s32 s0, $0x0;
	s0 =	rddreg [dreg:$0x6]  }
0x1f6: {  	s0 =	sadd.s32 @!p0 $0x100000, s0  }
0x1f7: {  	[sflag:s0] =	ssyncadd.tile.s32 @!p0 $0x1;
	_ =	shalt  }
.Lfunc_end2:
_tile_overlayer_lowered:
.L_overlay_start_2:
0x1f8: {  	(tag) =	ssettag $0x2  }
0x1f9: {  	s0 =	rddreg [dreg:$0x0];
	s2 =	stileid.u32  }
0x1fa: {  	s1 =	rddreg [dreg:$0x1];
	p0 =	sne.s32 s2, $0x0  }
0x1fb: {  	s3 =	rddreg [dreg:$0x2];
	[bflag:$0x3] =	sbarrier.arrive $0xFFFF;
	s2 =	simm.s32 @!p0 $0x1C02  }
0x1fc: {  	[timem:s3], [sflag:s2] =	dma.local @!p0 [hbm:s0], s1  }
0x1fd: {  	s0 =	simm.s32 @!p0 $0x2  }
0x1fe: {  	_ =	swait.ge @!p0 [sflag:s0], s1  }
0x1ff: {  	s1 =	ssub.s32 @!p0 $0x0, s1;
	[sflag:s0] =	ssyncset.done @!p0 $0x0  }
0x200: {  	[sflag:s0] =	ssyncadd.s32 @!p0 s1  }
0x201: {  	[bflag:$0x3] =	sbarrier.arrive $0xFFFF  }
0x202: {  	_ =	shalt  }

</sc_bundles>
